<compile_context>
chip_gen: v7x
topology: tpu7x:2x2x1
jax: 0.10.2.dev20260603
libtpu: 0.0.44.dev20260713+nightly
codegen_flags: <defaults>
</compile_context>

<pallas_src>
import functools

import jax
import jax.numpy as jnp
from jax import lax
from jax.experimental import pallas as pl
from jax.experimental.pallas import tpu as pltpu
from jax.experimental.pallas import tpu_sc as plsc

N = 10000
E = 320000
D = 128

NC, NS = 2, 16
NW = NC * NS
EPW = E // NW
K = 125
NCHUNK = EPW // K
KA = 125
NCA = 80
NHALF = 1
HC = NCA // NHALF
EPAD = NCA * KA - EPW
NP = 10240
RPT = NP // NS

_sc_cache = {}


def _sc_mesh():
    if "mesh" not in _sc_cache:
        _sc_cache["mesh"] = plsc.VectorSubcoreMesh(
            core_axis_name="c", subcore_axis_name="s",
            num_cores=NC, num_subcores=NS)
    return _sc_cache["mesh"]


def _deg_body(src_hbm, dst_hbm, ones_hbm, zeros_hbm, out_hbm,
              src_v, dst_v, ones_v, acc_s, acc_d, sem):
    c = lax.axis_index("c")
    s = lax.axis_index("s")
    wid = c * NS + s
    pltpu.sync_copy(zeros_hbm, acc_s.at[pl.ds(s * RPT, RPT)])
    pltpu.sync_copy(zeros_hbm, acc_d.at[pl.ds(s * RPT, RPT)])
    pltpu.sync_copy(ones_hbm, ones_v)
    pltpu.sync_copy(src_hbm.at[wid], src_v)
    pltpu.sync_copy(dst_hbm.at[wid], dst_v)
    plsc.subcore_barrier()

    def chunk(i, carry):
        pltpu.sync_copy(ones_v, acc_s.at[src_v.at[i]], add=True)
        pltpu.sync_copy(ones_v, acc_d.at[dst_v.at[i]], add=True)
        return carry

    lax.fori_loop(0, NCHUNK, chunk, 0)
    plsc.subcore_barrier()
    pltpu.sync_copy(acc_s.at[pl.ds(s * RPT, RPT)],
                    out_hbm.at[0, c, 0, pl.ds(s * RPT, RPT)])
    pltpu.sync_copy(acc_d.at[pl.ds(s * RPT, RPT)],
                    out_hbm.at[1, c, 0, pl.ds(s * RPT, RPT)])


def _deg_kernel(*args):
    if "deg" not in _sc_cache:
        _sc_cache["deg"] = pl.kernel(
            _deg_body,
            out_type=jax.ShapeDtypeStruct((2, NC, 1, NP), jnp.float32),
            mesh=_sc_mesh(),
            scratch_types=[
                pltpu.VMEM((NCHUNK, K), jnp.int32),
                pltpu.VMEM((NCHUNK, K), jnp.int32),
                pltpu.VMEM((K,), jnp.float32),
                pltpu.VMEM_SHARED((NP,), jnp.float32),
                pltpu.VMEM_SHARED((NP,), jnp.float32),
                pltpu.SemaphoreType.DMA,
            ],
        )
    return _sc_cache["deg"](*args)


def _agg_body(table_hbm, src_hbm, dst_hbm, zeros_hbm, out_hbm,
              src_v, dst_v, rows0, acc, gsem0):
    c = lax.axis_index("c")
    s = lax.axis_index("s")
    wid = c * NS + s
    pltpu.sync_copy(zeros_hbm, acc.at[pl.ds(s * RPT, RPT)])
    plsc.subcore_barrier()

    for h in range(NHALF):
        pltpu.sync_copy(src_hbm.at[wid, pl.ds(h * HC, HC)], src_v)
        pltpu.sync_copy(dst_hbm.at[wid, pl.ds(h * HC, HC)], dst_v)

        def chunk(i, carry):
            pltpu.async_copy(table_hbm.at[src_v.at[i]], rows0, gsem0).wait()
            pltpu.sync_copy(rows0, acc.at[dst_v.at[i]], add=True)
            return carry

        lax.fori_loop(0, HC, chunk, 0)
    plsc.subcore_barrier()
    pltpu.sync_copy(acc.at[pl.ds(s * RPT, RPT)],
                    out_hbm.at[c, pl.ds(s * RPT, RPT)])


def _agg_kernel(*args):
    if "agg" not in _sc_cache:
        _sc_cache["agg"] = pl.kernel(
            _agg_body,
            out_type=jax.ShapeDtypeStruct((NC, NP, D), jnp.float32),
            mesh=_sc_mesh(),
            scratch_types=[
                pltpu.VMEM((HC, KA), jnp.int32),
                pltpu.VMEM((HC, KA), jnp.int32),
                pltpu.VMEM((KA, D), jnp.float32),
                pltpu.VMEM_SHARED((NP, D), jnp.float32),
                pltpu.SemaphoreType.DMA,
            ],
        )
    return _sc_cache["agg"](*args)


def _emb_body(nf_ref, wemb_ref, bemb_ref, w1_ref, x_ref, xw1_ref):
    x = jnp.dot(nf_ref[...], wemb_ref[...],
                preferred_element_type=jnp.float32) + bemb_ref[...]
    x_ref[...] = x
    xw1_ref[...] = jnp.dot(x, w1_ref[...], preferred_element_type=jnp.float32)


_emb_kernel = pl.pallas_call(
    _emb_body,
    out_shape=(
        jax.ShapeDtypeStruct((N, D), jnp.float32),
        jax.ShapeDtypeStruct((N, D), jnp.float32),
    ),
)


def _norm_body(degp_ref, xw1_ref, t1_ref, ns_ref, nd_ref):
    degp = degp_ref[...]
    ones_c = jnp.ones((NC, 1), jnp.float32)
    cdims = (((0,), (0,)), ((), ()))
    out_deg = lax.dot_general(degp[0, :, 0, :], ones_c, cdims,
                              preferred_element_type=jnp.float32)[:N]
    in_deg = lax.dot_general(degp[1, :, 0, :], ones_c, cdims,
                             preferred_element_type=jnp.float32)[:N]
    norm_src = jnp.where(out_deg > 0, lax.rsqrt(jnp.maximum(out_deg, 1.0)), 0.0)
    norm_dst = jnp.where(in_deg > 0, lax.rsqrt(jnp.maximum(in_deg, 1.0)), 0.0)
    t1_ref[...] = xw1_ref[...] * norm_src
    ns_ref[...] = norm_src
    nd_ref[...] = norm_dst


_norm_kernel = pl.pallas_call(
    _norm_body,
    out_shape=(
        jax.ShapeDtypeStruct((N, D), jnp.float32),
        jax.ShapeDtypeStruct((N, 1), jnp.float32),
        jax.ShapeDtypeStruct((N, 1), jnp.float32),
    ),
)


def _mid_body(x_ref, p_ref, nd_ref, b1_ref, gamma_ref, beta_ref,
              w2_ref, ns_ref, t2_ref):
    x = x_ref[...]
    p = p_ref[0, :N, :] + p_ref[1, :N, :]
    h = x + p * nd_ref[...] + b1_ref[...]
    mean = jnp.mean(h, axis=0, keepdims=True)
    var = jnp.mean((h - mean) ** 2, axis=0, keepdims=True)
    h = (h - mean) * lax.rsqrt(var + 1e-5) * gamma_ref[...] + beta_ref[...]
    h = jnp.maximum(h, 0.0)
    t2_ref[...] = jnp.dot(h, w2_ref[...],
                          preferred_element_type=jnp.float32) * ns_ref[...]


_mid_kernel = pl.pallas_call(
    _mid_body,
    out_shape=jax.ShapeDtypeStruct((N, D), jnp.float32),
)


def _fin_body(x_ref, p_ref, nd_ref, b2_ref, wc_ref, bc_ref, h_ref, lab_ref):
    h2 = x_ref[...] + (p_ref[0, :N, :] + p_ref[1, :N, :]) * nd_ref[...] + b2_ref[...]
    h_ref[...] = h2
    y = jnp.mean(h2, axis=0, keepdims=True)
    lab_ref[...] = jnp.dot(y, wc_ref[...],
                           preferred_element_type=jnp.float32) + bc_ref[...]


_fin_kernel = pl.pallas_call(
    _fin_body,
    out_shape=(
        jax.ShapeDtypeStruct((N, D), jnp.float32),
        jax.ShapeDtypeStruct((1, 60), jnp.float32),
    ),
)


def kernel(node_features, edge_index, W_emb, b_emb, W1, b1, gamma, beta,
           W2, b2, Wc, bc):
    src = edge_index[0].reshape(NW, NCHUNK, K)
    dst = edge_index[1].reshape(NW, NCHUNK, K)
    src_a = edge_index[0].reshape(NW, NCA, KA)
    dst_a = edge_index[1].reshape(NW, NCA, KA)
    onesK = jnp.ones((K,), jnp.float32)
    zerosR = jnp.zeros((RPT,), jnp.float32)
    zerosD = jnp.zeros((RPT, D), jnp.float32)

    degp = _deg_kernel(src, dst, onesK, zerosR)
    x, xw1 = _emb_kernel(node_features, W_emb, b_emb.reshape(1, D), W1)
    t1, norm_src, norm_dst = _norm_kernel(degp, xw1)
    p1 = _agg_kernel(t1, src_a, dst_a, zerosD)
    t2 = _mid_kernel(x, p1, norm_dst, b1.reshape(1, D), gamma.reshape(1, D),
                     beta.reshape(1, D), W2, norm_src)
    p2 = _agg_kernel(t2, src_a, dst_a, zerosD)
    h, lab = _fin_kernel(x, p2, norm_dst, b2.reshape(1, D), Wc,
                         bc.reshape(1, 60))
    return (h, lab.reshape(60))

# --- scband reference (transcript-rebuilt; emitter-appended) ---
"""Pipeline reference for scband-simple-pose-gnn-52441550684775 (READ-ONLY COPY).

The authoritative reference and input builder live on the scoring server;
editing this copy changes nothing except your own understanding.
"""

import jax, jax.numpy as jnp
import numpy as np

N_NODES = 10000
N_EDGES = 320000
D_IN = 128
HID = 128
D_OUT = 128
N_CLS = 60


def setup_inputs(seed: int = 0) -> dict:
    key = jax.random.key(seed)
    ks = jax.random.split(key, 12)
    node_features = jax.random.normal(ks[0], (N_NODES, D_IN), dtype=jnp.float32)
    edge_index = jax.random.randint(ks[1], (2, N_EDGES), 0, N_NODES, dtype=jnp.int32)
    W_emb = jax.random.normal(ks[2], (D_IN, HID), dtype=jnp.float32) * (1.0 / np.sqrt(D_IN))
    b_emb = jnp.zeros((HID,), dtype=jnp.float32)
    W1 = jax.random.normal(ks[3], (HID, HID), dtype=jnp.float32) * (1.0 / np.sqrt(HID))
    b1 = jnp.zeros((HID,), dtype=jnp.float32)
    gamma = jnp.ones((HID,), dtype=jnp.float32)
    beta = jnp.zeros((HID,), dtype=jnp.float32)
    W2 = jax.random.normal(ks[4], (HID, D_OUT), dtype=jnp.float32) * (1.0 / np.sqrt(HID))
    b2 = jnp.zeros((D_OUT,), dtype=jnp.float32)
    Wc = jax.random.normal(ks[5], (D_OUT, N_CLS), dtype=jnp.float32) * (1.0 / np.sqrt(D_OUT))
    bc = jnp.zeros((N_CLS,), dtype=jnp.float32)
    return {"node_features": node_features, "edge_index": edge_index, "W_emb": W_emb, "b_emb": b_emb, "W1": W1, "b1": b1, "gamma": gamma, "beta": beta, "W2": W2, "b2": b2, "Wc": Wc, "bc": bc}


def _graph_conv(x, W, b, src, dst, norm_src, norm_dst):
    # DGL GraphConv with norm='both': D_out^{-1/2} scaling on src, sum-aggregate, D_in^{-1/2} on dst
    xw = x @ W
    m = xw[src] * norm_src[src][:, None]
    agg = jax.ops.segment_sum(m, dst, num_segments=N_NODES)
    return agg * norm_dst[:, None] + b


def reference(node_features, edge_index, W_emb, b_emb, W1, b1, gamma, beta, W2, b2, Wc, bc):
    src = edge_index[0]
    dst = edge_index[1]
    ones_e = jnp.ones((src.shape[0],), dtype=jnp.float32)
    out_deg = jax.ops.segment_sum(ones_e, src, num_segments=N_NODES)
    in_deg = jax.ops.segment_sum(ones_e, dst, num_segments=N_NODES)
    norm_src = jnp.where(out_deg > 0, jax.lax.rsqrt(jnp.maximum(out_deg, 1.0)), 0.0)
    norm_dst = jnp.where(in_deg > 0, jax.lax.rsqrt(jnp.maximum(in_deg, 1.0)), 0.0)

    x = node_features @ W_emb + b_emb
    h = x + _graph_conv(x, W1, b1, src, dst, norm_src, norm_dst)
    # BatchNorm1d in training mode: batch statistics over nodes, biased variance
    mean = jnp.mean(h, axis=0)
    var = jnp.mean((h - mean) ** 2, axis=0)
    h = (h - mean) * jax.lax.rsqrt(var + 1e-5) * gamma + beta
    h = jax.nn.relu(h)
    h = x + _graph_conv(h, W2, b2, src, dst, norm_src, norm_dst)
    # dgl.mean_nodes over a single graph
    y = jnp.mean(h, axis=0)
    label = y @ Wc + bc
    return (h, label)

if __name__ == "__main__":
    import jax
    _d = setup_inputs()
    print(jax.jit(kernel)(*tuple(_d.values())))

</pallas_src>

<mosaic_0001>
#map = affine_map<(d0, d1) -> (0, 0, 0)>
#map1 = affine_map<(d0, d1) -> (0)>
#map2 = affine_map<(d0, d1) -> (0, 0, 0, 0)>
module attributes {stable_mosaic.version = 14 : i64} {
  func.func @_deg_body(%arg0: i32, %arg1: i32, %arg2: memref<32x80x125xi32, #tpu.memory_space<hbm>>, %arg3: memref<32x80x125xi32, #tpu.memory_space<hbm>>, %arg4: memref<125xf32, #tpu.memory_space<hbm>>, %arg5: memref<640xf32, #tpu.memory_space<hbm>>, %arg6: memref<2x2x1x10240xf32, #tpu.memory_space<hbm>>, %arg7: memref<80x125xi32, #tpu.memory_space<vmem>>, %arg8: memref<80x125xi32, #tpu.memory_space<vmem>>, %arg9: memref<125xf32, #tpu.memory_space<vmem>>, %arg10: memref<10240xf32, #tpu.memory_space<vmem_shared>>, %arg11: memref<10240xf32, #tpu.memory_space<vmem_shared>>, %arg12: memref<!tpu.dma_semaphore, #tpu.memory_space<semaphore_mem>>) attributes {dimension_semantics = [#tpu.dimension_semantics<core_parallel>, #tpu.dimension_semantics<subcore_parallel>], iteration_bounds = array<i64: 2, 16>, scalar_prefetch = 0 : i64, scratch_operands = 6 : i64, tpu.core_type = #tpu.core_type<sc_vector_subcore>, window_params = [{transform_indices = #map}, {transform_indices = #map}, {transform_indices = #map1}, {transform_indices = #map1}, {transform_indices = #map2}]} {
    %mul3A = arith.constant 16 : i32
    %mul3A_0 = arith.muli %arg0, %mul3A : i32
    %add3A = arith.addi %mul3A_0, %arg1 : i32
    %mul3A_1 = arith.constant 640 : i32
    %mul3A_2 = arith.muli %arg1, %mul3A_1 : i32
    "tpu.region"() ({
      %run_scoped3A_22 = tpu.sem_alloc : memref<!tpu.dma_semaphore, #tpu.memory_space<semaphore_mem>>
      %dma_start3A = tpu.memref_slice %arg10[%mul3A_2] : memref<10240xf32, #tpu.memory_space<vmem_shared>> -> memref<640xf32, #tpu.memory_space<vmem_shared>>
      tpu.enqueue_dma source(%arg5 : memref<640xf32, #tpu.memory_space<hbm>>) target(%dma_start3A : memref<640xf32, #tpu.memory_space<vmem_shared>>) target_semaphore(%run_scoped3A_22 : memref<!tpu.dma_semaphore, #tpu.memory_space<semaphore_mem>>)
      %dma_wait3A = tpu.memref_slice %arg10[%mul3A_2] : memref<10240xf32, #tpu.memory_space<vmem_shared>> -> memref<640xf32, #tpu.memory_space<vmem_shared>>
      tpu.wait_dma2 semaphore(%run_scoped3A_22 : memref<!tpu.dma_semaphore, #tpu.memory_space<semaphore_mem>>) src(%arg5 : memref<640xf32, #tpu.memory_space<hbm>>) dst(%dma_wait3A : memref<640xf32, #tpu.memory_space<vmem_shared>>)
      tpu.yield
    }) : () -> ()
    %mul3A_3 = arith.constant 640 : i32
    %mul3A_4 = arith.muli %arg1, %mul3A_3 : i32
    "tpu.region"() ({
      %run_scoped3A_22 = tpu.sem_alloc : memref<!tpu.dma_semaphore, #tpu.memory_space<semaphore_mem>>
      %dma_start3A = tpu.memref_slice %arg11[%mul3A_4] : memref<10240xf32, #tpu.memory_space<vmem_shared>> -> memref<640xf32, #tpu.memory_space<vmem_shared>>
      tpu.enqueue_dma source(%arg5 : memref<640xf32, #tpu.memory_space<hbm>>) target(%dma_start3A : memref<640xf32, #tpu.memory_space<vmem_shared>>) target_semaphore(%run_scoped3A_22 : memref<!tpu.dma_semaphore, #tpu.memory_space<semaphore_mem>>)
      %dma_wait3A = tpu.memref_slice %arg11[%mul3A_4] : memref<10240xf32, #tpu.memory_space<vmem_shared>> -> memref<640xf32, #tpu.memory_space<vmem_shared>>
      tpu.wait_dma2 semaphore(%run_scoped3A_22 : memref<!tpu.dma_semaphore, #tpu.memory_space<semaphore_mem>>) src(%arg5 : memref<640xf32, #tpu.memory_space<hbm>>) dst(%dma_wait3A : memref<640xf32, #tpu.memory_space<vmem_shared>>)
      tpu.yield
    }) : () -> ()
    "tpu.region"() ({
      %run_scoped3A_22 = tpu.sem_alloc : memref<!tpu.dma_semaphore, #tpu.memory_space<semaphore_mem>>
      tpu.enqueue_dma source(%arg4 : memref<125xf32, #tpu.memory_space<hbm>>) target(%arg9 : memref<125xf32, #tpu.memory_space<vmem>>) target_semaphore(%run_scoped3A_22 : memref<!tpu.dma_semaphore, #tpu.memory_space<semaphore_mem>>)
      tpu.wait_dma2 semaphore(%run_scoped3A_22 : memref<!tpu.dma_semaphore, #tpu.memory_space<semaphore_mem>>) src(%arg4 : memref<125xf32, #tpu.memory_space<hbm>>) dst(%arg9 : memref<125xf32, #tpu.memory_space<vmem>>)
      tpu.yield
    }) : () -> ()
    "tpu.region"() ({
      %run_scoped3A_22 = tpu.sem_alloc : memref<!tpu.dma_semaphore, #tpu.memory_space<semaphore_mem>>
      %dma_start3A = arith.constant 0 : i32
      %dma_start3A_23 = arith.constant 0 : i32
      %dma_start3A_24 = tpu.memref_slice %arg2[%add3A, %dma_start3A, %dma_start3A_23] : memref<32x80x125xi32, #tpu.memory_space<hbm>> -> memref<1x80x125xi32, #tpu.memory_space<hbm>>
      %dma_start3A_25 = tpu.memref_squeeze %dma_start3A_24 : memref<1x80x125xi32, #tpu.memory_space<hbm>> -> memref<80x125xi32, #tpu.memory_space<hbm>>
      %dma_start3A_26 = arith.constant 0 : i32
      %dma_start3A_27 = arith.constant 0 : i32
      %dma_start3A_28 = tpu.memref_slice %arg2[%add3A, %dma_start3A_26, %dma_start3A_27] : memref<32x80x125xi32, #tpu.memory_space<hbm>> -> memref<1x80x125xi32, #tpu.memory_space<hbm>>
      %dma_start3A_29 = tpu.memref_squeeze %dma_start3A_28 : memref<1x80x125xi32, #tpu.memory_space<hbm>> -> memref<80x125xi32, #tpu.memory_space<hbm>>
      tpu.enqueue_dma source(%dma_start3A_29 : memref<80x125xi32, #tpu.memory_space<hbm>>) target(%arg7 : memref<80x125xi32, #tpu.memory_space<vmem>>) target_semaphore(%run_scoped3A_22 : memref<!tpu.dma_semaphore, #tpu.memory_space<semaphore_mem>>)
      %dma_wait3A = arith.constant 0 : i32
      %dma_wait3A_30 = arith.constant 0 : i32
      %dma_wait3A_31 = tpu.memref_slice %arg2[%add3A, %dma_wait3A, %dma_wait3A_30] : memref<32x80x125xi32, #tpu.memory_space<hbm>> -> memref<1x80x125xi32, #tpu.memory_space<hbm>>
      %dma_wait3A_32 = tpu.memref_squeeze %dma_wait3A_31 : memref<1x80x125xi32, #tpu.memory_space<hbm>> -> memref<80x125xi32, #tpu.memory_space<hbm>>
      %dma_wait3A_33 = arith.constant 0 : i32
      %dma_wait3A_34 = arith.constant 0 : i32
      %dma_wait3A_35 = tpu.memref_slice %arg2[%add3A, %dma_wait3A_33, %dma_wait3A_34] : memref<32x80x125xi32, #tpu.memory_space<hbm>> -> memref<1x80x125xi32, #tpu.memory_space<hbm>>
      %dma_wait3A_36 = tpu.memref_squeeze %dma_wait3A_35 : memref<1x80x125xi32, #tpu.memory_space<hbm>> -> memref<80x125xi32, #tpu.memory_space<hbm>>
      tpu.wait_dma2 semaphore(%run_scoped3A_22 : memref<!tpu.dma_semaphore, #tpu.memory_space<semaphore_mem>>) src(%dma_wait3A_36 : memref<80x125xi32, #tpu.memory_space<hbm>>) dst(%arg7 : memref<80x125xi32, #tpu.memory_space<vmem>>)
      tpu.yield
    }) : () -> ()
    "tpu.region"() ({
      %run_scoped3A_22 = tpu.sem_alloc : memref<!tpu.dma_semaphore, #tpu.memory_space<semaphore_mem>>
      %dma_start3A = arith.constant 0 : i32
      %dma_start3A_23 = arith.constant 0 : i32
      %dma_start3A_24 = tpu.memref_slice %arg3[%add3A, %dma_start3A, %dma_start3A_23] : memref<32x80x125xi32, #tpu.memory_space<hbm>> -> memref<1x80x125xi32, #tpu.memory_space<hbm>>
      %dma_start3A_25 = tpu.memref_squeeze %dma_start3A_24 : memref<1x80x125xi32, #tpu.memory_space<hbm>> -> memref<80x125xi32, #tpu.memory_space<hbm>>
      %dma_start3A_26 = arith.constant 0 : i32
      %dma_start3A_27 = arith.constant 0 : i32
      %dma_start3A_28 = tpu.memref_slice %arg3[%add3A, %dma_start3A_26, %dma_start3A_27] : memref<32x80x125xi32, #tpu.memory_space<hbm>> -> memref<1x80x125xi32, #tpu.memory_space<hbm>>
      %dma_start3A_29 = tpu.memref_squeeze %dma_start3A_28 : memref<1x80x125xi32, #tpu.memory_space<hbm>> -> memref<80x125xi32, #tpu.memory_space<hbm>>
      tpu.enqueue_dma source(%dma_start3A_29 : memref<80x125xi32, #tpu.memory_space<hbm>>) target(%arg8 : memref<80x125xi32, #tpu.memory_space<vmem>>) target_semaphore(%run_scoped3A_22 : memref<!tpu.dma_semaphore, #tpu.memory_space<semaphore_mem>>)
      %dma_wait3A = arith.constant 0 : i32
      %dma_wait3A_30 = arith.constant 0 : i32
      %dma_wait3A_31 = tpu.memref_slice %arg3[%add3A, %dma_wait3A, %dma_wait3A_30] : memref<32x80x125xi32, #tpu.memory_space<hbm>> -> memref<1x80x125xi32, #tpu.memory_space<hbm>>
      %dma_wait3A_32 = tpu.memref_squeeze %dma_wait3A_31 : memref<1x80x125xi32, #tpu.memory_space<hbm>> -> memref<80x125xi32, #tpu.memory_space<hbm>>
      %dma_wait3A_33 = arith.constant 0 : i32
      %dma_wait3A_34 = arith.constant 0 : i32
      %dma_wait3A_35 = tpu.memref_slice %arg3[%add3A, %dma_wait3A_33, %dma_wait3A_34] : memref<32x80x125xi32, #tpu.memory_space<hbm>> -> memref<1x80x125xi32, #tpu.memory_space<hbm>>
      %dma_wait3A_36 = tpu.memref_squeeze %dma_wait3A_35 : memref<1x80x125xi32, #tpu.memory_space<hbm>> -> memref<80x125xi32, #tpu.memory_space<hbm>>
      tpu.wait_dma2 semaphore(%run_scoped3A_22 : memref<!tpu.dma_semaphore, #tpu.memory_space<semaphore_mem>>) src(%dma_wait3A_36 : memref<80x125xi32, #tpu.memory_space<hbm>>) dst(%arg8 : memref<80x125xi32, #tpu.memory_space<vmem>>)
      tpu.yield
    }) : () -> ()
    %barrier3A = arith.constant 0 : index
    tpu.barrier barrier_id(%barrier3A)
    %scan3A = arith.constant 0 : i32
    %scan3A_5 = arith.constant 0 : i32
    %scan3A_6 = arith.constant 80 : i32
    %scan3A_7 = arith.addi %scan3A_5, %scan3A_6 : i32
    %scan3A_8 = arith.constant 1 : i32
    scf.for %scan3A_22 = %scan3A_5 to %scan3A_7 step %scan3A_8  : i32 {
      "tpu.region"() ({
        %run_scoped3A_23 = tpu.sem_alloc : memref<!tpu.dma_semaphore, #tpu.memory_space<semaphore_mem>>
        %dma_start3A = arith.constant 0 : i32
        %dma_start3A_24 = tpu.memref_slice %arg7[%scan3A_22, %dma_start3A] : memref<80x125xi32, #tpu.memory_space<vmem>> -> memref<1x125xi32, #tpu.memory_space<vmem>>
        %dma_start3A_25 = tpu.memref_squeeze %dma_start3A_24 : memref<1x125xi32, #tpu.memory_space<vmem>> -> memref<125xi32, #tpu.memory_space<vmem>>
        %dma_start3A_26 = arith.constant 0 : i32
        %dma_start3A_27 = tpu.memref_slice %arg10[%dma_start3A_26] : memref<10240xf32, #tpu.memory_space<vmem_shared>> -> memref<10240xf32, #tpu.memory_space<vmem_shared>>
        tpu.enqueue_indirect_dma source(%arg9 : memref<125xf32, #tpu.memory_space<vmem>>) target(%dma_start3A_27 : memref<10240xf32, #tpu.memory_space<vmem_shared>>) offsets(%dma_start3A_25 : memref<125xi32, #tpu.memory_space<vmem>>) semaphore(%run_scoped3A_23 : memref<!tpu.dma_semaphore, #tpu.memory_space<semaphore_mem>>) {add = true}
        %dma_wait3A = arith.constant 0 : i32
        %dma_wait3A_28 = tpu.memref_slice %arg7[%scan3A_22, %dma_wait3A] : memref<80x125xi32, #tpu.memory_space<vmem>> -> memref<1x125xi32, #tpu.memory_space<vmem>>
        %dma_wait3A_29 = tpu.memref_squeeze %dma_wait3A_28 : memref<1x125xi32, #tpu.memory_space<vmem>> -> memref<125xi32, #tpu.memory_space<vmem>>
        %dma_wait3A_30 = arith.constant 0 : i32
        %dma_wait3A_31 = tpu.memref_slice %arg10[%dma_wait3A_30] : memref<10240xf32, #tpu.memory_space<vmem_shared>> -> memref<10240xf32, #tpu.memory_space<vmem_shared>>
        tpu.wait_indirect_dma semaphore(%run_scoped3A_23 : memref<!tpu.dma_semaphore, #tpu.memory_space<semaphore_mem>>) src(%arg9 : memref<125xf32, #tpu.memory_space<vmem>>) dst(%dma_wait3A_31 : memref<10240xf32, #tpu.memory_space<vmem_shared>>)
        tpu.yield
      }) : () -> ()
      "tpu.region"() ({
        %run_scoped3A_23 = tpu.sem_alloc : memref<!tpu.dma_semaphore, #tpu.memory_space<semaphore_mem>>
        %dma_start3A = arith.constant 0 : i32
        %dma_start3A_24 = tpu.memref_slice %arg8[%scan3A_22, %dma_start3A] : memref<80x125xi32, #tpu.memory_space<vmem>> -> memref<1x125xi32, #tpu.memory_space<vmem>>
        %dma_start3A_25 = tpu.memref_squeeze %dma_start3A_24 : memref<1x125xi32, #tpu.memory_space<vmem>> -> memref<125xi32, #tpu.memory_space<vmem>>
        %dma_start3A_26 = arith.constant 0 : i32
        %dma_start3A_27 = tpu.memref_slice %arg11[%dma_start3A_26] : memref<10240xf32, #tpu.memory_space<vmem_shared>> -> memref<10240xf32, #tpu.memory_space<vmem_shared>>
        tpu.enqueue_indirect_dma source(%arg9 : memref<125xf32, #tpu.memory_space<vmem>>) target(%dma_start3A_27 : memref<10240xf32, #tpu.memory_space<vmem_shared>>) offsets(%dma_start3A_25 : memref<125xi32, #tpu.memory_space<vmem>>) semaphore(%run_scoped3A_23 : memref<!tpu.dma_semaphore, #tpu.memory_space<semaphore_mem>>) {add = true}
        %dma_wait3A = arith.constant 0 : i32
        %dma_wait3A_28 = tpu.memref_slice %arg8[%scan3A_22, %dma_wait3A] : memref<80x125xi32, #tpu.memory_space<vmem>> -> memref<1x125xi32, #tpu.memory_space<vmem>>
        %dma_wait3A_29 = tpu.memref_squeeze %dma_wait3A_28 : memref<1x125xi32, #tpu.memory_space<vmem>> -> memref<125xi32, #tpu.memory_space<vmem>>
        %dma_wait3A_30 = arith.constant 0 : i32
        %dma_wait3A_31 = tpu.memref_slice %arg11[%dma_wait3A_30] : memref<10240xf32, #tpu.memory_space<vmem_shared>> -> memref<10240xf32, #tpu.memory_space<vmem_shared>>
        tpu.wait_indirect_dma semaphore(%run_scoped3A_23 : memref<!tpu.dma_semaphore, #tpu.memory_space<semaphore_mem>>) src(%arg9 : memref<125xf32, #tpu.memory_space<vmem>>) dst(%dma_wait3A_31 : memref<10240xf32, #tpu.memory_space<vmem_shared>>)
        tpu.yield
      }) : () -> ()
    }
    %scan3A_9 = arith.constant 80 : i32
    %barrier3A_10 = arith.constant 0 : index
    tpu.barrier barrier_id(%barrier3A_10)
    %mul3A_11 = arith.constant 640 : i32
    %mul3A_12 = arith.muli %arg1, %mul3A_11 : i32
    %mul3A_13 = arith.constant 640 : i32
    %mul3A_14 = arith.muli %arg1, %mul3A_13 : i32
    %run_scoped3A = arith.constant 0 : i32
    %run_scoped3A_15 = arith.constant 0 : i32
    "tpu.region"() ({
      %run_scoped3A_22 = tpu.sem_alloc : memref<!tpu.dma_semaphore, #tpu.memory_space<semaphore_mem>>
      %dma_start3A = tpu.memref_slice %arg6[%run_scoped3A, %arg0, %run_scoped3A_15, %mul3A_14] : memref<2x2x1x10240xf32, #tpu.memory_space<hbm>> -> memref<1x1x1x640xf32, #tpu.memory_space<hbm>>
      %dma_start3A_23 = tpu.memref_squeeze %dma_start3A : memref<1x1x1x640xf32, #tpu.memory_space<hbm>> -> memref<640xf32, #tpu.memory_space<hbm>>
      %dma_start3A_24 = tpu.memref_slice %arg10[%mul3A_12] : memref<10240xf32, #tpu.memory_space<vmem_shared>> -> memref<640xf32, #tpu.memory_space<vmem_shared>>
      tpu.enqueue_dma source(%dma_start3A_24 : memref<640xf32, #tpu.memory_space<vmem_shared>>) target(%dma_start3A_23 : memref<640xf32, #tpu.memory_space<hbm>>) target_semaphore(%run_scoped3A_22 : memref<!tpu.dma_semaphore, #tpu.memory_space<semaphore_mem>>)
      %dma_wait3A = tpu.memref_slice %arg6[%run_scoped3A, %arg0, %run_scoped3A_15, %mul3A_14] : memref<2x2x1x10240xf32, #tpu.memory_space<hbm>> -> memref<1x1x1x640xf32, #tpu.memory_space<hbm>>
      %dma_wait3A_25 = tpu.memref_squeeze %dma_wait3A : memref<1x1x1x640xf32, #tpu.memory_space<hbm>> -> memref<640xf32, #tpu.memory_space<hbm>>
      %dma_wait3A_26 = tpu.memref_slice %arg10[%mul3A_12] : memref<10240xf32, #tpu.memory_space<vmem_shared>> -> memref<640xf32, #tpu.memory_space<vmem_shared>>
      tpu.wait_dma2 semaphore(%run_scoped3A_22 : memref<!tpu.dma_semaphore, #tpu.memory_space<semaphore_mem>>) src(%dma_wait3A_26 : memref<640xf32, #tpu.memory_space<vmem_shared>>) dst(%dma_wait3A_25 : memref<640xf32, #tpu.memory_space<hbm>>)
      tpu.yield
    }) : () -> ()
    %mul3A_16 = arith.constant 640 : i32
    %mul3A_17 = arith.muli %arg1, %mul3A_16 : i32
    %mul3A_18 = arith.constant 640 : i32
    %mul3A_19 = arith.muli %arg1, %mul3A_18 : i32
    %run_scoped3A_20 = arith.constant 1 : i32
    %run_scoped3A_21 = arith.constant 0 : i32
    "tpu.region"() ({
      %run_scoped3A_22 = tpu.sem_alloc : memref<!tpu.dma_semaphore, #tpu.memory_space<semaphore_mem>>
      %dma_start3A = tpu.memref_slice %arg6[%run_scoped3A_20, %arg0, %run_scoped3A_21, %mul3A_19] : memref<2x2x1x10240xf32, #tpu.memory_space<hbm>> -> memref<1x1x1x640xf32, #tpu.memory_space<hbm>>
      %dma_start3A_23 = tpu.memref_squeeze %dma_start3A : memref<1x1x1x640xf32, #tpu.memory_space<hbm>> -> memref<640xf32, #tpu.memory_space<hbm>>
      %dma_start3A_24 = tpu.memref_slice %arg11[%mul3A_17] : memref<10240xf32, #tpu.memory_space<vmem_shared>> -> memref<640xf32, #tpu.memory_space<vmem_shared>>
      tpu.enqueue_dma source(%dma_start3A_24 : memref<640xf32, #tpu.memory_space<vmem_shared>>) target(%dma_start3A_23 : memref<640xf32, #tpu.memory_space<hbm>>) target_semaphore(%run_scoped3A_22 : memref<!tpu.dma_semaphore, #tpu.memory_space<semaphore_mem>>)
      %dma_wait3A = tpu.memref_slice %arg6[%run_scoped3A_20, %arg0, %run_scoped3A_21, %mul3A_19] : memref<2x2x1x10240xf32, #tpu.memory_space<hbm>> -> memref<1x1x1x640xf32, #tpu.memory_space<hbm>>
      %dma_wait3A_25 = tpu.memref_squeeze %dma_wait3A : memref<1x1x1x640xf32, #tpu.memory_space<hbm>> -> memref<640xf32, #tpu.memory_space<hbm>>
      %dma_wait3A_26 = tpu.memref_slice %arg11[%mul3A_17] : memref<10240xf32, #tpu.memory_space<vmem_shared>> -> memref<640xf32, #tpu.memory_space<vmem_shared>>
      tpu.wait_dma2 semaphore(%run_scoped3A_22 : memref<!tpu.dma_semaphore, #tpu.memory_space<semaphore_mem>>) src(%dma_wait3A_26 : memref<640xf32, #tpu.memory_space<vmem_shared>>) dst(%dma_wait3A_25 : memref<640xf32, #tpu.memory_space<hbm>>)
      tpu.yield
    }) : () -> ()
    return
  }
}

#map = affine_map<(d0, d1) -> (0, 0)>
#map1 = affine_map<(d0, d1) -> (0, 0, 0)>
module attributes {stable_mosaic.version = 14 : i64} {
  func.func @_agg_body(%arg0: i32, %arg1: i32, %arg2: memref<10000x128xf32, #tpu.memory_space<hbm>>, %arg3: memref<32x80x125xi32, #tpu.memory_space<hbm>>, %arg4: memref<32x80x125xi32, #tpu.memory_space<hbm>>, %arg5: memref<640x128xf32, #tpu.memory_space<hbm>>, %arg6: memref<2x10240x128xf32, #tpu.memory_space<hbm>>, %arg7: memref<80x125xi32, #tpu.memory_space<vmem>>, %arg8: memref<80x125xi32, #tpu.memory_space<vmem>>, %arg9: memref<125x128xf32, #tpu.memory_space<vmem>>, %arg10: memref<10240x128xf32, #tpu.memory_space<vmem_shared>>, %arg11: memref<!tpu.dma_semaphore, #tpu.memory_space<semaphore_mem>>) attributes {dimension_semantics = [#tpu.dimension_semantics<core_parallel>, #tpu.dimension_semantics<subcore_parallel>], iteration_bounds = array<i64: 2, 16>, scalar_prefetch = 0 : i64, scratch_operands = 5 : i64, tpu.core_type = #tpu.core_type<sc_vector_subcore>, window_params = [{transform_indices = #map}, {transform_indices = #map1}, {transform_indices = #map1}, {transform_indices = #map}, {transform_indices = #map1}]} {
    %mul3A = arith.constant 16 : i32
    %mul3A_0 = arith.muli %arg0, %mul3A : i32
    %add3A = arith.addi %mul3A_0, %arg1 : i32
    %mul3A_1 = arith.constant 640 : i32
    %mul3A_2 = arith.muli %arg1, %mul3A_1 : i32
    "tpu.region"() ({
      %run_scoped3A = tpu.sem_alloc : memref<!tpu.dma_semaphore, #tpu.memory_space<semaphore_mem>>
      %dma_start3A = arith.constant 0 : i32
      %dma_start3A_13 = tpu.memref_slice %arg10[%mul3A_2, %dma_start3A] : memref<10240x128xf32, #tpu.memory_space<vmem_shared>> -> memref<640x128xf32, #tpu.memory_space<vmem_shared>>
      tpu.enqueue_dma source(%arg5 : memref<640x128xf32, #tpu.memory_space<hbm>>) target(%dma_start3A_13 : memref<640x128xf32, #tpu.memory_space<vmem_shared>>) target_semaphore(%run_scoped3A : memref<!tpu.dma_semaphore, #tpu.memory_space<semaphore_mem>>)
      %dma_wait3A = arith.constant 0 : i32
      %dma_wait3A_14 = tpu.memref_slice %arg10[%mul3A_2, %dma_wait3A] : memref<10240x128xf32, #tpu.memory_space<vmem_shared>> -> memref<640x128xf32, #tpu.memory_space<vmem_shared>>
      tpu.wait_dma2 semaphore(%run_scoped3A : memref<!tpu.dma_semaphore, #tpu.memory_space<semaphore_mem>>) src(%arg5 : memref<640x128xf32, #tpu.memory_space<hbm>>) dst(%dma_wait3A_14 : memref<640x128xf32, #tpu.memory_space<vmem_shared>>)
      tpu.yield
    }) : () -> ()
    %barrier3A = arith.constant 0 : index
    tpu.barrier barrier_id(%barrier3A)
    "tpu.region"() ({
      %run_scoped3A = tpu.sem_alloc : memref<!tpu.dma_semaphore, #tpu.memory_space<semaphore_mem>>
      %dma_start3A = arith.constant 0 : i32
      %dma_start3A_13 = arith.constant 0 : i32
      %dma_start3A_14 = tpu.memref_slice %arg3[%add3A, %dma_start3A, %dma_start3A_13] : memref<32x80x125xi32, #tpu.memory_space<hbm>> -> memref<1x80x125xi32, #tpu.memory_space<hbm>>
      %dma_start3A_15 = tpu.memref_squeeze %dma_start3A_14 : memref<1x80x125xi32, #tpu.memory_space<hbm>> -> memref<80x125xi32, #tpu.memory_space<hbm>>
      %dma_start3A_16 = arith.constant 0 : i32
      %dma_start3A_17 = arith.constant 0 : i32
      %dma_start3A_18 = tpu.memref_slice %arg3[%add3A, %dma_start3A_16, %dma_start3A_17] : memref<32x80x125xi32, #tpu.memory_space<hbm>> -> memref<1x80x125xi32, #tpu.memory_space<hbm>>
      %dma_start3A_19 = tpu.memref_squeeze %dma_start3A_18 : memref<1x80x125xi32, #tpu.memory_space<hbm>> -> memref<80x125xi32, #tpu.memory_space<hbm>>
      tpu.enqueue_dma source(%dma_start3A_19 : memref<80x125xi32, #tpu.memory_space<hbm>>) target(%arg7 : memref<80x125xi32, #tpu.memory_space<vmem>>) target_semaphore(%run_scoped3A : memref<!tpu.dma_semaphore, #tpu.memory_space<semaphore_mem>>)
      %dma_wait3A = arith.constant 0 : i32
      %dma_wait3A_20 = arith.constant 0 : i32
      %dma_wait3A_21 = tpu.memref_slice %arg3[%add3A, %dma_wait3A, %dma_wait3A_20] : memref<32x80x125xi32, #tpu.memory_space<hbm>> -> memref<1x80x125xi32, #tpu.memory_space<hbm>>
      %dma_wait3A_22 = tpu.memref_squeeze %dma_wait3A_21 : memref<1x80x125xi32, #tpu.memory_space<hbm>> -> memref<80x125xi32, #tpu.memory_space<hbm>>
      %dma_wait3A_23 = arith.constant 0 : i32
      %dma_wait3A_24 = arith.constant 0 : i32
      %dma_wait3A_25 = tpu.memref_slice %arg3[%add3A, %dma_wait3A_23, %dma_wait3A_24] : memref<32x80x125xi32, #tpu.memory_space<hbm>> -> memref<1x80x125xi32, #tpu.memory_space<hbm>>
      %dma_wait3A_26 = tpu.memref_squeeze %dma_wait3A_25 : memref<1x80x125xi32, #tpu.memory_space<hbm>> -> memref<80x125xi32, #tpu.memory_space<hbm>>
      tpu.wait_dma2 semaphore(%run_scoped3A : memref<!tpu.dma_semaphore, #tpu.memory_space<semaphore_mem>>) src(%dma_wait3A_26 : memref<80x125xi32, #tpu.memory_space<hbm>>) dst(%arg7 : memref<80x125xi32, #tpu.memory_space<vmem>>)
      tpu.yield
    }) : () -> ()
    "tpu.region"() ({
      %run_scoped3A = tpu.sem_alloc : memref<!tpu.dma_semaphore, #tpu.memory_space<semaphore_mem>>
      %dma_start3A = arith.constant 0 : i32
      %dma_start3A_13 = arith.constant 0 : i32
      %dma_start3A_14 = tpu.memref_slice %arg4[%add3A, %dma_start3A, %dma_start3A_13] : memref<32x80x125xi32, #tpu.memory_space<hbm>> -> memref<1x80x125xi32, #tpu.memory_space<hbm>>
      %dma_start3A_15 = tpu.memref_squeeze %dma_start3A_14 : memref<1x80x125xi32, #tpu.memory_space<hbm>> -> memref<80x125xi32, #tpu.memory_space<hbm>>
      %dma_start3A_16 = arith.constant 0 : i32
      %dma_start3A_17 = arith.constant 0 : i32
      %dma_start3A_18 = tpu.memref_slice %arg4[%add3A, %dma_start3A_16, %dma_start3A_17] : memref<32x80x125xi32, #tpu.memory_space<hbm>> -> memref<1x80x125xi32, #tpu.memory_space<hbm>>
      %dma_start3A_19 = tpu.memref_squeeze %dma_start3A_18 : memref<1x80x125xi32, #tpu.memory_space<hbm>> -> memref<80x125xi32, #tpu.memory_space<hbm>>
      tpu.enqueue_dma source(%dma_start3A_19 : memref<80x125xi32, #tpu.memory_space<hbm>>) target(%arg8 : memref<80x125xi32, #tpu.memory_space<vmem>>) target_semaphore(%run_scoped3A : memref<!tpu.dma_semaphore, #tpu.memory_space<semaphore_mem>>)
      %dma_wait3A = arith.constant 0 : i32
      %dma_wait3A_20 = arith.constant 0 : i32
      %dma_wait3A_21 = tpu.memref_slice %arg4[%add3A, %dma_wait3A, %dma_wait3A_20] : memref<32x80x125xi32, #tpu.memory_space<hbm>> -> memref<1x80x125xi32, #tpu.memory_space<hbm>>
      %dma_wait3A_22 = tpu.memref_squeeze %dma_wait3A_21 : memref<1x80x125xi32, #tpu.memory_space<hbm>> -> memref<80x125xi32, #tpu.memory_space<hbm>>
      %dma_wait3A_23 = arith.constant 0 : i32
      %dma_wait3A_24 = arith.constant 0 : i32
      %dma_wait3A_25 = tpu.memref_slice %arg4[%add3A, %dma_wait3A_23, %dma_wait3A_24] : memref<32x80x125xi32, #tpu.memory_space<hbm>> -> memref<1x80x125xi32, #tpu.memory_space<hbm>>
      %dma_wait3A_26 = tpu.memref_squeeze %dma_wait3A_25 : memref<1x80x125xi32, #tpu.memory_space<hbm>> -> memref<80x125xi32, #tpu.memory_space<hbm>>
      tpu.wait_dma2 semaphore(%run_scoped3A : memref<!tpu.dma_semaphore, #tpu.memory_space<semaphore_mem>>) src(%dma_wait3A_26 : memref<80x125xi32, #tpu.memory_space<hbm>>) dst(%arg8 : memref<80x125xi32, #tpu.memory_space<vmem>>)
      tpu.yield
    }) : () -> ()
    %scan3A = arith.constant 0 : i32
    %scan3A_3 = arith.constant 0 : i32
    %scan3A_4 = arith.constant 80 : i32
    %scan3A_5 = arith.addi %scan3A_3, %scan3A_4 : i32
    %scan3A_6 = arith.constant 1 : i32
    scf.for %scan3A_13 = %scan3A_3 to %scan3A_5 step %scan3A_6  : i32 {
      %dma_start3A = arith.constant 0 : i32
      %dma_start3A_14 = tpu.memref_slice %arg7[%scan3A_13, %dma_start3A] : memref<80x125xi32, #tpu.memory_space<vmem>> -> memref<1x125xi32, #tpu.memory_space<vmem>>
      %dma_start3A_15 = tpu.memref_squeeze %dma_start3A_14 : memref<1x125xi32, #tpu.memory_space<vmem>> -> memref<125xi32, #tpu.memory_space<vmem>>
      %dma_start3A_16 = arith.constant 0 : i32
      %dma_start3A_17 = arith.constant 0 : i32
      %dma_start3A_18 = tpu.memref_slice %arg2[%dma_start3A_16, %dma_start3A_17] : memref<10000x128xf32, #tpu.memory_space<hbm>> -> memref<10000x128xf32, #tpu.memory_space<hbm>>
      tpu.enqueue_indirect_dma source(%dma_start3A_18 : memref<10000x128xf32, #tpu.memory_space<hbm>>) target(%arg9 : memref<125x128xf32, #tpu.memory_space<vmem>>) offsets(%dma_start3A_15 : memref<125xi32, #tpu.memory_space<vmem>>) semaphore(%arg11 : memref<!tpu.dma_semaphore, #tpu.memory_space<semaphore_mem>>)
      %dma_wait3A = arith.constant 0 : i32
      %dma_wait3A_19 = tpu.memref_slice %arg7[%scan3A_13, %dma_wait3A] : memref<80x125xi32, #tpu.memory_space<vmem>> -> memref<1x125xi32, #tpu.memory_space<vmem>>
      %dma_wait3A_20 = tpu.memref_squeeze %dma_wait3A_19 : memref<1x125xi32, #tpu.memory_space<vmem>> -> memref<125xi32, #tpu.memory_space<vmem>>
      %dma_wait3A_21 = arith.constant 0 : i32
      %dma_wait3A_22 = arith.constant 0 : i32
      %dma_wait3A_23 = tpu.memref_slice %arg2[%dma_wait3A_21, %dma_wait3A_22] : memref<10000x128xf32, #tpu.memory_space<hbm>> -> memref<10000x128xf32, #tpu.memory_space<hbm>>
      tpu.wait_indirect_dma semaphore(%arg11 : memref<!tpu.dma_semaphore, #tpu.memory_space<semaphore_mem>>) src(%dma_wait3A_23 : memref<10000x128xf32, #tpu.memory_space<hbm>>) dst(%arg9 : memref<125x128xf32, #tpu.memory_space<vmem>>)
      "tpu.region"() ({
        %run_scoped3A = tpu.sem_alloc : memref<!tpu.dma_semaphore, #tpu.memory_space<semaphore_mem>>
        %dma_start3A_24 = arith.constant 0 : i32
        %dma_start3A_25 = tpu.memref_slice %arg8[%scan3A_13, %dma_start3A_24] : memref<80x125xi32, #tpu.memory_space<vmem>> -> memref<1x125xi32, #tpu.memory_space<vmem>>
        %dma_start3A_26 = tpu.memref_squeeze %dma_start3A_25 : memref<1x125xi32, #tpu.memory_space<vmem>> -> memref<125xi32, #tpu.memory_space<vmem>>
        %dma_start3A_27 = arith.constant 0 : i32
        %dma_start3A_28 = arith.constant 0 : i32
        %dma_start3A_29 = tpu.memref_slice %arg10[%dma_start3A_27, %dma_start3A_28] : memref<10240x128xf32, #tpu.memory_space<vmem_shared>> -> memref<10240x128xf32, #tpu.memory_space<vmem_shared>>
        tpu.enqueue_indirect_dma source(%arg9 : memref<125x128xf32, #tpu.memory_space<vmem>>) target(%dma_start3A_29 : memref<10240x128xf32, #tpu.memory_space<vmem_shared>>) offsets(%dma_start3A_26 : memref<125xi32, #tpu.memory_space<vmem>>) semaphore(%run_scoped3A : memref<!tpu.dma_semaphore, #tpu.memory_space<semaphore_mem>>) {add = true}
        %dma_wait3A_30 = arith.constant 0 : i32
        %dma_wait3A_31 = tpu.memref_slice %arg8[%scan3A_13, %dma_wait3A_30] : memref<80x125xi32, #tpu.memory_space<vmem>> -> memref<1x125xi32, #tpu.memory_space<vmem>>
        %dma_wait3A_32 = tpu.memref_squeeze %dma_wait3A_31 : memref<1x125xi32, #tpu.memory_space<vmem>> -> memref<125xi32, #tpu.memory_space<vmem>>
        %dma_wait3A_33 = arith.constant 0 : i32
        %dma_wait3A_34 = arith.constant 0 : i32
        %dma_wait3A_35 = tpu.memref_slice %arg10[%dma_wait3A_33, %dma_wait3A_34] : memref<10240x128xf32, #tpu.memory_space<vmem_shared>> -> memref<10240x128xf32, #tpu.memory_space<vmem_shared>>
        tpu.wait_indirect_dma semaphore(%run_scoped3A : memref<!tpu.dma_semaphore, #tpu.memory_space<semaphore_mem>>) src(%arg9 : memref<125x128xf32, #tpu.memory_space<vmem>>) dst(%dma_wait3A_35 : memref<10240x128xf32, #tpu.memory_space<vmem_shared>>)
        tpu.yield
      }) : () -> ()
    }
    %scan3A_7 = arith.constant 80 : i32
    %barrier3A_8 = arith.constant 0 : index
    tpu.barrier barrier_id(%barrier3A_8)
    %mul3A_9 = arith.constant 640 : i32
    %mul3A_10 = arith.muli %arg1, %mul3A_9 : i32
    %mul3A_11 = arith.constant 640 : i32
    %mul3A_12 = arith.muli %arg1, %mul3A_11 : i32
    "tpu.region"() ({
      %run_scoped3A = tpu.sem_alloc : memref<!tpu.dma_semaphore, #tpu.memory_space<semaphore_mem>>
      %dma_start3A = arith.constant 0 : i32
      %dma_start3A_13 = tpu.memref_slice %arg6[%arg0, %mul3A_12, %dma_start3A] : memref<2x10240x128xf32, #tpu.memory_space<hbm>> -> memref<1x640x128xf32, #tpu.memory_space<hbm>>
      %dma_start3A_14 = tpu.memref_squeeze %dma_start3A_13 : memref<1x640x128xf32, #tpu.memory_space<hbm>> -> memref<640x128xf32, #tpu.memory_space<hbm>>
      %dma_start3A_15 = arith.constant 0 : i32
      %dma_start3A_16 = tpu.memref_slice %arg10[%mul3A_10, %dma_start3A_15] : memref<10240x128xf32, #tpu.memory_space<vmem_shared>> -> memref<640x128xf32, #tpu.memory_space<vmem_shared>>
      tpu.enqueue_dma source(%dma_start3A_16 : memref<640x128xf32, #tpu.memory_space<vmem_shared>>) target(%dma_start3A_14 : memref<640x128xf32, #tpu.memory_space<hbm>>) target_semaphore(%run_scoped3A : memref<!tpu.dma_semaphore, #tpu.memory_space<semaphore_mem>>)
      %dma_wait3A = arith.constant 0 : i32
      %dma_wait3A_17 = tpu.memref_slice %arg6[%arg0, %mul3A_12, %dma_wait3A] : memref<2x10240x128xf32, #tpu.memory_space<hbm>> -> memref<1x640x128xf32, #tpu.memory_space<hbm>>
      %dma_wait3A_18 = tpu.memref_squeeze %dma_wait3A_17 : memref<1x640x128xf32, #tpu.memory_space<hbm>> -> memref<640x128xf32, #tpu.memory_space<hbm>>
      %dma_wait3A_19 = arith.constant 0 : i32
      %dma_wait3A_20 = tpu.memref_slice %arg10[%mul3A_10, %dma_wait3A_19] : memref<10240x128xf32, #tpu.memory_space<vmem_shared>> -> memref<640x128xf32, #tpu.memory_space<vmem_shared>>
      tpu.wait_dma2 semaphore(%run_scoped3A : memref<!tpu.dma_semaphore, #tpu.memory_space<semaphore_mem>>) src(%dma_wait3A_20 : memref<640x128xf32, #tpu.memory_space<vmem_shared>>) dst(%dma_wait3A_18 : memref<640x128xf32, #tpu.memory_space<hbm>>)
      tpu.yield
    }) : () -> ()
    return
  }
}

#map = affine_map<(d0, d1) -> (0, 0)>
#map1 = affine_map<(d0, d1) -> (0, 0, 0)>
module attributes {stable_mosaic.version = 14 : i64} {
  func.func @_agg_body(%arg0: i32, %arg1: i32, %arg2: memref<10000x128xf32, #tpu.memory_space<hbm>>, %arg3: memref<32x80x125xi32, #tpu.memory_space<hbm>>, %arg4: memref<32x80x125xi32, #tpu.memory_space<hbm>>, %arg5: memref<640x128xf32, #tpu.memory_space<hbm>>, %arg6: memref<2x10240x128xf32, #tpu.memory_space<hbm>>, %arg7: memref<80x125xi32, #tpu.memory_space<vmem>>, %arg8: memref<80x125xi32, #tpu.memory_space<vmem>>, %arg9: memref<125x128xf32, #tpu.memory_space<vmem>>, %arg10: memref<10240x128xf32, #tpu.memory_space<vmem_shared>>, %arg11: memref<!tpu.dma_semaphore, #tpu.memory_space<semaphore_mem>>) attributes {dimension_semantics = [#tpu.dimension_semantics<core_parallel>, #tpu.dimension_semantics<subcore_parallel>], iteration_bounds = array<i64: 2, 16>, scalar_prefetch = 0 : i64, scratch_operands = 5 : i64, tpu.core_type = #tpu.core_type<sc_vector_subcore>, window_params = [{transform_indices = #map}, {transform_indices = #map1}, {transform_indices = #map1}, {transform_indices = #map}, {transform_indices = #map1}]} {
    %mul3A = arith.constant 16 : i32
    %mul3A_0 = arith.muli %arg0, %mul3A : i32
    %add3A = arith.addi %mul3A_0, %arg1 : i32
    %mul3A_1 = arith.constant 640 : i32
    %mul3A_2 = arith.muli %arg1, %mul3A_1 : i32
    "tpu.region"() ({
      %run_scoped3A = tpu.sem_alloc : memref<!tpu.dma_semaphore, #tpu.memory_space<semaphore_mem>>
      %dma_start3A = arith.constant 0 : i32
      %dma_start3A_13 = tpu.memref_slice %arg10[%mul3A_2, %dma_start3A] : memref<10240x128xf32, #tpu.memory_space<vmem_shared>> -> memref<640x128xf32, #tpu.memory_space<vmem_shared>>
      tpu.enqueue_dma source(%arg5 : memref<640x128xf32, #tpu.memory_space<hbm>>) target(%dma_start3A_13 : memref<640x128xf32, #tpu.memory_space<vmem_shared>>) target_semaphore(%run_scoped3A : memref<!tpu.dma_semaphore, #tpu.memory_space<semaphore_mem>>)
      %dma_wait3A = arith.constant 0 : i32
      %dma_wait3A_14 = tpu.memref_slice %arg10[%mul3A_2, %dma_wait3A] : memref<10240x128xf32, #tpu.memory_space<vmem_shared>> -> memref<640x128xf32, #tpu.memory_space<vmem_shared>>
      tpu.wait_dma2 semaphore(%run_scoped3A : memref<!tpu.dma_semaphore, #tpu.memory_space<semaphore_mem>>) src(%arg5 : memref<640x128xf32, #tpu.memory_space<hbm>>) dst(%dma_wait3A_14 : memref<640x128xf32, #tpu.memory_space<vmem_shared>>)
      tpu.yield
    }) : () -> ()
    %barrier3A = arith.constant 0 : index
    tpu.barrier barrier_id(%barrier3A)
    "tpu.region"() ({
      %run_scoped3A = tpu.sem_alloc : memref<!tpu.dma_semaphore, #tpu.memory_space<semaphore_mem>>
      %dma_start3A = arith.constant 0 : i32
      %dma_start3A_13 = arith.constant 0 : i32
      %dma_start3A_14 = tpu.memref_slice %arg3[%add3A, %dma_start3A, %dma_start3A_13] : memref<32x80x125xi32, #tpu.memory_space<hbm>> -> memref<1x80x125xi32, #tpu.memory_space<hbm>>
      %dma_start3A_15 = tpu.memref_squeeze %dma_start3A_14 : memref<1x80x125xi32, #tpu.memory_space<hbm>> -> memref<80x125xi32, #tpu.memory_space<hbm>>
      %dma_start3A_16 = arith.constant 0 : i32
      %dma_start3A_17 = arith.constant 0 : i32
      %dma_start3A_18 = tpu.memref_slice %arg3[%add3A, %dma_start3A_16, %dma_start3A_17] : memref<32x80x125xi32, #tpu.memory_space<hbm>> -> memref<1x80x125xi32, #tpu.memory_space<hbm>>
      %dma_start3A_19 = tpu.memref_squeeze %dma_start3A_18 : memref<1x80x125xi32, #tpu.memory_space<hbm>> -> memref<80x125xi32, #tpu.memory_space<hbm>>
      tpu.enqueue_dma source(%dma_start3A_19 : memref<80x125xi32, #tpu.memory_space<hbm>>) target(%arg7 : memref<80x125xi32, #tpu.memory_space<vmem>>) target_semaphore(%run_scoped3A : memref<!tpu.dma_semaphore, #tpu.memory_space<semaphore_mem>>)
      %dma_wait3A = arith.constant 0 : i32
      %dma_wait3A_20 = arith.constant 0 : i32
      %dma_wait3A_21 = tpu.memref_slice %arg3[%add3A, %dma_wait3A, %dma_wait3A_20] : memref<32x80x125xi32, #tpu.memory_space<hbm>> -> memref<1x80x125xi32, #tpu.memory_space<hbm>>
      %dma_wait3A_22 = tpu.memref_squeeze %dma_wait3A_21 : memref<1x80x125xi32, #tpu.memory_space<hbm>> -> memref<80x125xi32, #tpu.memory_space<hbm>>
      %dma_wait3A_23 = arith.constant 0 : i32
      %dma_wait3A_24 = arith.constant 0 : i32
      %dma_wait3A_25 = tpu.memref_slice %arg3[%add3A, %dma_wait3A_23, %dma_wait3A_24] : memref<32x80x125xi32, #tpu.memory_space<hbm>> -> memref<1x80x125xi32, #tpu.memory_space<hbm>>
      %dma_wait3A_26 = tpu.memref_squeeze %dma_wait3A_25 : memref<1x80x125xi32, #tpu.memory_space<hbm>> -> memref<80x125xi32, #tpu.memory_space<hbm>>
      tpu.wait_dma2 semaphore(%run_scoped3A : memref<!tpu.dma_semaphore, #tpu.memory_space<semaphore_mem>>) src(%dma_wait3A_26 : memref<80x125xi32, #tpu.memory_space<hbm>>) dst(%arg7 : memref<80x125xi32, #tpu.memory_space<vmem>>)
      tpu.yield
    }) : () -> ()
    "tpu.region"() ({
      %run_scoped3A = tpu.sem_alloc : memref<!tpu.dma_semaphore, #tpu.memory_space<semaphore_mem>>
      %dma_start3A = arith.constant 0 : i32
      %dma_start3A_13 = arith.constant 0 : i32
      %dma_start3A_14 = tpu.memref_slice %arg4[%add3A, %dma_start3A, %dma_start3A_13] : memref<32x80x125xi32, #tpu.memory_space<hbm>> -> memref<1x80x125xi32, #tpu.memory_space<hbm>>
      %dma_start3A_15 = tpu.memref_squeeze %dma_start3A_14 : memref<1x80x125xi32, #tpu.memory_space<hbm>> -> memref<80x125xi32, #tpu.memory_space<hbm>>
      %dma_start3A_16 = arith.constant 0 : i32
      %dma_start3A_17 = arith.constant 0 : i32
      %dma_start3A_18 = tpu.memref_slice %arg4[%add3A, %dma_start3A_16, %dma_start3A_17] : memref<32x80x125xi32, #tpu.memory_space<hbm>> -> memref<1x80x125xi32, #tpu.memory_space<hbm>>
      %dma_start3A_19 = tpu.memref_squeeze %dma_start3A_18 : memref<1x80x125xi32, #tpu.memory_space<hbm>> -> memref<80x125xi32, #tpu.memory_space<hbm>>
      tpu.enqueue_dma source(%dma_start3A_19 : memref<80x125xi32, #tpu.memory_space<hbm>>) target(%arg8 : memref<80x125xi32, #tpu.memory_space<vmem>>) target_semaphore(%run_scoped3A : memref<!tpu.dma_semaphore, #tpu.memory_space<semaphore_mem>>)
      %dma_wait3A = arith.constant 0 : i32
      %dma_wait3A_20 = arith.constant 0 : i32
      %dma_wait3A_21 = tpu.memref_slice %arg4[%add3A, %dma_wait3A, %dma_wait3A_20] : memref<32x80x125xi32, #tpu.memory_space<hbm>> -> memref<1x80x125xi32, #tpu.memory_space<hbm>>
      %dma_wait3A_22 = tpu.memref_squeeze %dma_wait3A_21 : memref<1x80x125xi32, #tpu.memory_space<hbm>> -> memref<80x125xi32, #tpu.memory_space<hbm>>
      %dma_wait3A_23 = arith.constant 0 : i32
      %dma_wait3A_24 = arith.constant 0 : i32
      %dma_wait3A_25 = tpu.memref_slice %arg4[%add3A, %dma_wait3A_23, %dma_wait3A_24] : memref<32x80x125xi32, #tpu.memory_space<hbm>> -> memref<1x80x125xi32, #tpu.memory_space<hbm>>
      %dma_wait3A_26 = tpu.memref_squeeze %dma_wait3A_25 : memref<1x80x125xi32, #tpu.memory_space<hbm>> -> memref<80x125xi32, #tpu.memory_space<hbm>>
      tpu.wait_dma2 semaphore(%run_scoped3A : memref<!tpu.dma_semaphore, #tpu.memory_space<semaphore_mem>>) src(%dma_wait3A_26 : memref<80x125xi32, #tpu.memory_space<hbm>>) dst(%arg8 : memref<80x125xi32, #tpu.memory_space<vmem>>)
      tpu.yield
    }) : () -> ()
    %scan3A = arith.constant 0 : i32
    %scan3A_3 = arith.constant 0 : i32
    %scan3A_4 = arith.constant 80 : i32
    %scan3A_5 = arith.addi %scan3A_3, %scan3A_4 : i32
    %scan3A_6 = arith.constant 1 : i32
    scf.for %scan3A_13 = %scan3A_3 to %scan3A_5 step %scan3A_6  : i32 {
      %dma_start3A = arith.constant 0 : i32
      %dma_start3A_14 = tpu.memref_slice %arg7[%scan3A_13, %dma_start3A] : memref<80x125xi32, #tpu.memory_space<vmem>> -> memref<1x125xi32, #tpu.memory_space<vmem>>
      %dma_start3A_15 = tpu.memref_squeeze %dma_start3A_14 : memref<1x125xi32, #tpu.memory_space<vmem>> -> memref<125xi32, #tpu.memory_space<vmem>>
      %dma_start3A_16 = arith.constant 0 : i32
      %dma_start3A_17 = arith.constant 0 : i32
      %dma_start3A_18 = tpu.memref_slice %arg2[%dma_start3A_16, %dma_start3A_17] : memref<10000x128xf32, #tpu.memory_space<hbm>> -> memref<10000x128xf32, #tpu.memory_space<hbm>>
      tpu.enqueue_indirect_dma source(%dma_start3A_18 : memref<10000x128xf32, #tpu.memory_space<hbm>>) target(%arg9 : memref<125x128xf32, #tpu.memory_space<vmem>>) offsets(%dma_start3A_15 : memref<125xi32, #tpu.memory_space<vmem>>) semaphore(%arg11 : memref<!tpu.dma_semaphore, #tpu.memory_space<semaphore_mem>>)
      %dma_wait3A = arith.constant 0 : i32
      %dma_wait3A_19 = tpu.memref_slice %arg7[%scan3A_13, %dma_wait3A] : memref<80x125xi32, #tpu.memory_space<vmem>> -> memref<1x125xi32, #tpu.memory_space<vmem>>
      %dma_wait3A_20 = tpu.memref_squeeze %dma_wait3A_19 : memref<1x125xi32, #tpu.memory_space<vmem>> -> memref<125xi32, #tpu.memory_space<vmem>>
      %dma_wait3A_21 = arith.constant 0 : i32
      %dma_wait3A_22 = arith.constant 0 : i32
      %dma_wait3A_23 = tpu.memref_slice %arg2[%dma_wait3A_21, %dma_wait3A_22] : memref<10000x128xf32, #tpu.memory_space<hbm>> -> memref<10000x128xf32, #tpu.memory_space<hbm>>
      tpu.wait_indirect_dma semaphore(%arg11 : memref<!tpu.dma_semaphore, #tpu.memory_space<semaphore_mem>>) src(%dma_wait3A_23 : memref<10000x128xf32, #tpu.memory_space<hbm>>) dst(%arg9 : memref<125x128xf32, #tpu.memory_space<vmem>>)
      "tpu.region"() ({
        %run_scoped3A = tpu.sem_alloc : memref<!tpu.dma_semaphore, #tpu.memory_space<semaphore_mem>>
        %dma_start3A_24 = arith.constant 0 : i32
        %dma_start3A_25 = tpu.memref_slice %arg8[%scan3A_13, %dma_start3A_24] : memref<80x125xi32, #tpu.memory_space<vmem>> -> memref<1x125xi32, #tpu.memory_space<vmem>>
        %dma_start3A_26 = tpu.memref_squeeze %dma_start3A_25 : memref<1x125xi32, #tpu.memory_space<vmem>> -> memref<125xi32, #tpu.memory_space<vmem>>
        %dma_start3A_27 = arith.constant 0 : i32
        %dma_start3A_28 = arith.constant 0 : i32
        %dma_start3A_29 = tpu.memref_slice %arg10[%dma_start3A_27, %dma_start3A_28] : memref<10240x128xf32, #tpu.memory_space<vmem_shared>> -> memref<10240x128xf32, #tpu.memory_space<vmem_shared>>
        tpu.enqueue_indirect_dma source(%arg9 : memref<125x128xf32, #tpu.memory_space<vmem>>) target(%dma_start3A_29 : memref<10240x128xf32, #tpu.memory_space<vmem_shared>>) offsets(%dma_start3A_26 : memref<125xi32, #tpu.memory_space<vmem>>) semaphore(%run_scoped3A : memref<!tpu.dma_semaphore, #tpu.memory_space<semaphore_mem>>) {add = true}
        %dma_wait3A_30 = arith.constant 0 : i32
        %dma_wait3A_31 = tpu.memref_slice %arg8[%scan3A_13, %dma_wait3A_30] : memref<80x125xi32, #tpu.memory_space<vmem>> -> memref<1x125xi32, #tpu.memory_space<vmem>>
        %dma_wait3A_32 = tpu.memref_squeeze %dma_wait3A_31 : memref<1x125xi32, #tpu.memory_space<vmem>> -> memref<125xi32, #tpu.memory_space<vmem>>
        %dma_wait3A_33 = arith.constant 0 : i32
        %dma_wait3A_34 = arith.constant 0 : i32
        %dma_wait3A_35 = tpu.memref_slice %arg10[%dma_wait3A_33, %dma_wait3A_34] : memref<10240x128xf32, #tpu.memory_space<vmem_shared>> -> memref<10240x128xf32, #tpu.memory_space<vmem_shared>>
        tpu.wait_indirect_dma semaphore(%run_scoped3A : memref<!tpu.dma_semaphore, #tpu.memory_space<semaphore_mem>>) src(%arg9 : memref<125x128xf32, #tpu.memory_space<vmem>>) dst(%dma_wait3A_35 : memref<10240x128xf32, #tpu.memory_space<vmem_shared>>)
        tpu.yield
      }) : () -> ()
    }
    %scan3A_7 = arith.constant 80 : i32
    %barrier3A_8 = arith.constant 0 : index
    tpu.barrier barrier_id(%barrier3A_8)
    %mul3A_9 = arith.constant 640 : i32
    %mul3A_10 = arith.muli %arg1, %mul3A_9 : i32
    %mul3A_11 = arith.constant 640 : i32
    %mul3A_12 = arith.muli %arg1, %mul3A_11 : i32
    "tpu.region"() ({
      %run_scoped3A = tpu.sem_alloc : memref<!tpu.dma_semaphore, #tpu.memory_space<semaphore_mem>>
      %dma_start3A = arith.constant 0 : i32
      %dma_start3A_13 = tpu.memref_slice %arg6[%arg0, %mul3A_12, %dma_start3A] : memref<2x10240x128xf32, #tpu.memory_space<hbm>> -> memref<1x640x128xf32, #tpu.memory_space<hbm>>
      %dma_start3A_14 = tpu.memref_squeeze %dma_start3A_13 : memref<1x640x128xf32, #tpu.memory_space<hbm>> -> memref<640x128xf32, #tpu.memory_space<hbm>>
      %dma_start3A_15 = arith.constant 0 : i32
      %dma_start3A_16 = tpu.memref_slice %arg10[%mul3A_10, %dma_start3A_15] : memref<10240x128xf32, #tpu.memory_space<vmem_shared>> -> memref<640x128xf32, #tpu.memory_space<vmem_shared>>
      tpu.enqueue_dma source(%dma_start3A_16 : memref<640x128xf32, #tpu.memory_space<vmem_shared>>) target(%dma_start3A_14 : memref<640x128xf32, #tpu.memory_space<hbm>>) target_semaphore(%run_scoped3A : memref<!tpu.dma_semaphore, #tpu.memory_space<semaphore_mem>>)
      %dma_wait3A = arith.constant 0 : i32
      %dma_wait3A_17 = tpu.memref_slice %arg6[%arg0, %mul3A_12, %dma_wait3A] : memref<2x10240x128xf32, #tpu.memory_space<hbm>> -> memref<1x640x128xf32, #tpu.memory_space<hbm>>
      %dma_wait3A_18 = tpu.memref_squeeze %dma_wait3A_17 : memref<1x640x128xf32, #tpu.memory_space<hbm>> -> memref<640x128xf32, #tpu.memory_space<hbm>>
      %dma_wait3A_19 = arith.constant 0 : i32
      %dma_wait3A_20 = tpu.memref_slice %arg10[%mul3A_10, %dma_wait3A_19] : memref<10240x128xf32, #tpu.memory_space<vmem_shared>> -> memref<640x128xf32, #tpu.memory_space<vmem_shared>>
      tpu.wait_dma2 semaphore(%run_scoped3A : memref<!tpu.dma_semaphore, #tpu.memory_space<semaphore_mem>>) src(%dma_wait3A_20 : memref<640x128xf32, #tpu.memory_space<vmem_shared>>) dst(%dma_wait3A_18 : memref<640x128xf32, #tpu.memory_space<hbm>>)
      tpu.yield
    }) : () -> ()
    return
  }
}

module attributes {stable_mosaic.version = 14 : i64} {
  func.func @_emb_body(%arg0: memref<10000x128xf32, #tpu.memory_space<vmem>>, %arg1: memref<128x128xf32, #tpu.memory_space<vmem>>, %arg2: memref<1x128xf32, #tpu.memory_space<vmem>>, %arg3: memref<128x128xf32, #tpu.memory_space<vmem>>, %arg4: memref<10000x128xf32, #tpu.memory_space<vmem>>, %arg5: memref<10000x128xf32, #tpu.memory_space<vmem>>) attributes {dimension_semantics = [], scalar_prefetch = 0 : i64, scratch_operands = 0 : i64, tpu.core_type = #tpu.core_type<tc>} {
    %get3A = arith.constant 0 : index
    %get3A_0 = arith.constant 0 : index
    %get3A_1 = vector.load %arg0[%get3A, %get3A_0] : memref<10000x128xf32, #tpu.memory_space<vmem>>, vector<10000x128xf32>
    %get3A_2 = arith.constant 0 : index
    %get3A_3 = arith.constant 0 : index
    %get3A_4 = vector.load %arg1[%get3A_2, %get3A_3] : memref<128x128xf32, #tpu.memory_space<vmem>>, vector<128x128xf32>
    %dot_general3A = arith.constant dense<0.000000e+00> : vector<10000x128xf32>
    %dot_general3A_5 = tpu.matmul %get3A_1, %get3A_4, %dot_general3A {dimension_numbers = #tpu.dot_dimension_numbers<[1], [0], [0], [1], [0, 0, 1, 1], [], []>, transpose_lhs_hint = false} : vector<10000x128xf32>, vector<128x128xf32>, vector<10000x128xf32> -> vector<10000x128xf32>
    %get3A_6 = arith.constant 0 : index
    %get3A_7 = arith.constant 0 : index
    %get3A_8 = vector.load %arg2[%get3A_6, %get3A_7] : memref<1x128xf32, #tpu.memory_space<vmem>>, vector<1x128xf32>
    %add3A = vector.broadcast %get3A_8 : vector<1x128xf32> to vector<10000x128xf32>
    %add3A_9 = arith.addf %dot_general3A_5, %add3A : vector<10000x128xf32>
    %swap3A = arith.constant 0 : index
    %swap3A_10 = arith.constant 0 : index
    %swap3A_11 = vector.load %arg4[%swap3A, %swap3A_10] : memref<10000x128xf32, #tpu.memory_space<vmem>>, vector<10000x128xf32>
    tpu.vector_store %arg4[%swap3A, %swap3A_10], %add3A_9 {strides = array<i32>} : memref<10000x128xf32, #tpu.memory_space<vmem>>, vector<10000x128xf32>,
    %get3A_12 = arith.constant 0 : index
    %get3A_13 = arith.constant 0 : index
    %get3A_14 = vector.load %arg3[%get3A_12, %get3A_13] : memref<128x128xf32, #tpu.memory_space<vmem>>, vector<128x128xf32>
    %dot_general3A_15 = arith.constant dense<0.000000e+00> : vector<10000x128xf32>
    %dot_general3A_16 = tpu.matmul %add3A_9, %get3A_14, %dot_general3A_15 {dimension_numbers = #tpu.dot_dimension_numbers<[1], [0], [0], [1], [0, 0, 1, 1], [], []>, transpose_lhs_hint = false} : vector<10000x128xf32>, vector<128x128xf32>, vector<10000x128xf32> -> vector<10000x128xf32>
    %swap3A_17 = arith.constant 0 : index
    %swap3A_18 = arith.constant 0 : index
    %swap3A_19 = vector.load %arg5[%swap3A_17, %swap3A_18] : memref<10000x128xf32, #tpu.memory_space<vmem>>, vector<10000x128xf32>
    tpu.vector_store %arg5[%swap3A_17, %swap3A_18], %dot_general3A_16 {strides = array<i32>} : memref<10000x128xf32, #tpu.memory_space<vmem>>, vector<10000x128xf32>,
    return
  }
}

module attributes {stable_mosaic.version = 14 : i64} {
  func.func @_norm_body(%arg0: memref<2x2x1x10240xf32, #tpu.memory_space<vmem>>, %arg1: memref<10000x128xf32, #tpu.memory_space<vmem>>, %arg2: memref<10000x128xf32, #tpu.memory_space<vmem>>, %arg3: memref<10000x1xf32, #tpu.memory_space<vmem>>, %arg4: memref<10000x1xf32, #tpu.memory_space<vmem>>) attributes {dimension_semantics = [], scalar_prefetch = 0 : i64, scratch_operands = 0 : i64, tpu.core_type = #tpu.core_type<tc>} {
    %get3A = arith.constant 0 : index
    %get3A_0 = arith.constant 0 : index
    %get3A_1 = arith.constant 0 : index
    %get3A_2 = arith.constant 0 : index
    %get3A_3 = vector.load %arg0[%get3A, %get3A_0, %get3A_1, %get3A_2] : memref<2x2x1x10240xf32, #tpu.memory_space<vmem>>, vector<2x2x1x10240xf32>
    %broadcast_in_dim3A = arith.constant 1.000000e+00 : f32
    %broadcast_in_dim3A_4 = vector.broadcast %broadcast_in_dim3A : f32 to vector<2x1xf32>
    %slice3A = vector.extract_strided_slice %get3A_3 {offsets = [0, 0, 0, 0], sizes = [1, 2, 1, 10240], strides = [1, 1, 1, 1]} : vector<2x2x1x10240xf32> to vector<1x2x1x10240xf32>
    %squeeze3A = vector.shape_cast %slice3A : vector<1x2x1x10240xf32> to vector<2x10240xf32>
    %dot_general3A = arith.constant dense<0.000000e+00> : vector<10240x1xf32>
    %dot_general3A_5 = tpu.matmul %squeeze3A, %broadcast_in_dim3A_4, %dot_general3A {dimension_numbers = #tpu.dot_dimension_numbers<[0], [0], [1], [1], [0, 1, 1, 1], [], []>, transpose_lhs_hint = false} : vector<2x10240xf32>, vector<2x1xf32>, vector<10240x1xf32> -> vector<10240x1xf32>
    %slice3A_6 = vector.extract_strided_slice %dot_general3A_5 {offsets = [0, 0], sizes = [10000, 1], strides = [1, 1]} : vector<10240x1xf32> to vector<10000x1xf32>
    %slice3A_7 = vector.extract_strided_slice %get3A_3 {offsets = [1, 0, 0, 0], sizes = [1, 2, 1, 10240], strides = [1, 1, 1, 1]} : vector<2x2x1x10240xf32> to vector<1x2x1x10240xf32>
    %squeeze3A_8 = vector.shape_cast %slice3A_7 : vector<1x2x1x10240xf32> to vector<2x10240xf32>
    %dot_general3A_9 = arith.constant dense<0.000000e+00> : vector<10240x1xf32>
    %dot_general3A_10 = tpu.matmul %squeeze3A_8, %broadcast_in_dim3A_4, %dot_general3A_9 {dimension_numbers = #tpu.dot_dimension_numbers<[0], [0], [1], [1], [0, 1, 1, 1], [], []>, transpose_lhs_hint = false} : vector<2x10240xf32>, vector<2x1xf32>, vector<10240x1xf32> -> vector<10240x1xf32>
    %slice3A_11 = vector.extract_strided_slice %dot_general3A_10 {offsets = [0, 0], sizes = [10000, 1], strides = [1, 1]} : vector<10240x1xf32> to vector<10000x1xf32>
    %gt3A = arith.constant 0.000000e+00 : f32
    %gt3A_12 = vector.broadcast %gt3A : f32 to vector<10000x1xf32>
    %gt3A_13 = arith.cmpf ogt, %slice3A_6, %gt3A_12 : vector<10000x1xf32>
    %max3A = arith.constant 1.000000e+00 : f32
    %max3A_14 = vector.broadcast %max3A : f32 to vector<10000x1xf32>
    %max3A_15 = arith.maximumf %slice3A_6, %max3A_14 : vector<10000x1xf32>
    %rsqrt3A = math.rsqrt %max3A_15 : vector<10000x1xf32>
    %jit3A = arith.constant 0.000000e+00 : f32
    %broadcast_in_dim3A_16 = vector.broadcast %jit3A : f32 to vector<10000x1xf32>
    %select_n3A = arith.select %gt3A_13, %rsqrt3A, %broadcast_in_dim3A_16 : vector<10000x1xi1>, vector<10000x1xf32>
    %gt3A_17 = arith.constant 0.000000e+00 : f32
    %gt3A_18 = vector.broadcast %gt3A_17 : f32 to vector<10000x1xf32>
    %gt3A_19 = arith.cmpf ogt, %slice3A_11, %gt3A_18 : vector<10000x1xf32>
    %max3A_20 = arith.constant 1.000000e+00 : f32
    %max3A_21 = vector.broadcast %max3A_20 : f32 to vector<10000x1xf32>
    %max3A_22 = arith.maximumf %slice3A_11, %max3A_21 : vector<10000x1xf32>
    %rsqrt3A_23 = math.rsqrt %max3A_22 : vector<10000x1xf32>
    %jit3A_24 = arith.constant 0.000000e+00 : f32
    %broadcast_in_dim3A_25 = vector.broadcast %jit3A_24 : f32 to vector<10000x1xf32>
    %select_n3A_26 = arith.select %gt3A_19, %rsqrt3A_23, %broadcast_in_dim3A_25 : vector<10000x1xi1>, vector<10000x1xf32>
    %get3A_27 = arith.constant 0 : index
    %get3A_28 = arith.constant 0 : index
    %get3A_29 = vector.load %arg1[%get3A_27, %get3A_28] : memref<10000x128xf32, #tpu.memory_space<vmem>>, vector<10000x128xf32>
    %mul3A = vector.broadcast %select_n3A : vector<10000x1xf32> to vector<10000x128xf32>
    %mul3A_30 = arith.mulf %get3A_29, %mul3A : vector<10000x128xf32>
    %swap3A = arith.constant 0 : index
    %swap3A_31 = arith.constant 0 : index
    %swap3A_32 = vector.load %arg2[%swap3A, %swap3A_31] : memref<10000x128xf32, #tpu.memory_space<vmem>>, vector<10000x128xf32>
    tpu.vector_store %arg2[%swap3A, %swap3A_31], %mul3A_30 {strides = array<i32>} : memref<10000x128xf32, #tpu.memory_space<vmem>>, vector<10000x128xf32>,
    %swap3A_33 = arith.constant 0 : index
    %swap3A_34 = arith.constant 0 : index
    %swap3A_35 = vector.load %arg3[%swap3A_33, %swap3A_34] : memref<10000x1xf32, #tpu.memory_space<vmem>>, vector<10000x1xf32>
    tpu.vector_store %arg3[%swap3A_33, %swap3A_34], %select_n3A {strides = array<i32>} : memref<10000x1xf32, #tpu.memory_space<vmem>>, vector<10000x1xf32>,
    %swap3A_36 = arith.constant 0 : index
    %swap3A_37 = arith.constant 0 : index
    %swap3A_38 = vector.load %arg4[%swap3A_36, %swap3A_37] : memref<10000x1xf32, #tpu.memory_space<vmem>>, vector<10000x1xf32>
    tpu.vector_store %arg4[%swap3A_36, %swap3A_37], %select_n3A_26 {strides = array<i32>} : memref<10000x1xf32, #tpu.memory_space<vmem>>, vector<10000x1xf32>,
    return
  }
}

module attributes {stable_mosaic.version = 14 : i64} {
  func.func @_mid_body(%arg0: memref<10000x128xf32, #tpu.memory_space<vmem>>, %arg1: memref<2x10240x128xf32, #tpu.memory_space<vmem>>, %arg2: memref<10000x1xf32, #tpu.memory_space<vmem>>, %arg3: memref<1x128xf32, #tpu.memory_space<vmem>>, %arg4: memref<1x128xf32, #tpu.memory_space<vmem>>, %arg5: memref<1x128xf32, #tpu.memory_space<vmem>>, %arg6: memref<128x128xf32, #tpu.memory_space<vmem>>, %arg7: memref<10000x1xf32, #tpu.memory_space<vmem>>, %arg8: memref<10000x128xf32, #tpu.memory_space<vmem>>) attributes {dimension_semantics = [], scalar_prefetch = 0 : i64, scratch_operands = 0 : i64, tpu.core_type = #tpu.core_type<tc>} {
    %get3A = arith.constant 0 : index
    %get3A_0 = arith.constant 0 : index
    %get3A_1 = vector.load %arg0[%get3A, %get3A_0] : memref<10000x128xf32, #tpu.memory_space<vmem>>, vector<10000x128xf32>
    %get3A_2 = arith.constant 0 : index
    %get3A_3 = arith.constant 0 : index
    %get3A_4 = arith.constant 0 : index
    %get3A_5 = vector.load %arg1[%get3A_2, %get3A_3, %get3A_4] : memref<2x10240x128xf32, #tpu.memory_space<vmem>>, vector<1x10000x128xf32>
    %get3A_6 = vector.shape_cast %get3A_5 : vector<1x10000x128xf32> to vector<10000x128xf32>
    %get3A_7 = arith.constant 1 : index
    %get3A_8 = arith.constant 0 : index
    %get3A_9 = arith.constant 0 : index
    %get3A_10 = vector.load %arg1[%get3A_7, %get3A_8, %get3A_9] : memref<2x10240x128xf32, #tpu.memory_space<vmem>>, vector<1x10000x128xf32>
    %get3A_11 = vector.shape_cast %get3A_10 : vector<1x10000x128xf32> to vector<10000x128xf32>
    %add3A = arith.addf %get3A_6, %get3A_11 : vector<10000x128xf32>
    %get3A_12 = arith.constant 0 : index
    %get3A_13 = arith.constant 0 : index
    %get3A_14 = vector.load %arg2[%get3A_12, %get3A_13] : memref<10000x1xf32, #tpu.memory_space<vmem>>, vector<10000x1xf32>
    %mul3A = vector.broadcast %get3A_14 : vector<10000x1xf32> to vector<10000x128xf32>
    %mul3A_15 = arith.mulf %add3A, %mul3A : vector<10000x128xf32>
    %add3A_16 = arith.addf %get3A_1, %mul3A_15 : vector<10000x128xf32>
    %get3A_17 = arith.constant 0 : index
    %get3A_18 = arith.constant 0 : index
    %get3A_19 = vector.load %arg3[%get3A_17, %get3A_18] : memref<1x128xf32, #tpu.memory_space<vmem>>, vector<1x128xf32>
    %add3A_20 = vector.broadcast %get3A_19 : vector<1x128xf32> to vector<10000x128xf32>
    %add3A_21 = arith.addf %add3A_16, %add3A_20 : vector<10000x128xf32>
    %reduce_sum3A = arith.constant dense<0.000000e+00> : vector<128xf32>
    %reduce_sum3A_22 = vector.multi_reduction <add>, %add3A_21, %reduce_sum3A [0] : vector<10000x128xf32> to vector<128xf32>
    %broadcast_in_dim3A = vector.shape_cast %reduce_sum3A_22 : vector<128xf32> to vector<1x128xf32>
    %div3A = arith.constant 1.000000e+04 : f32
    %div3A_23 = vector.broadcast %div3A : f32 to vector<1x128xf32>
    %div3A_24 = arith.divf %broadcast_in_dim3A, %div3A_23 : vector<1x128xf32>
    %sub3A = vector.broadcast %div3A_24 : vector<1x128xf32> to vector<10000x128xf32>
    %sub3A_25 = arith.subf %add3A_21, %sub3A : vector<10000x128xf32>
    %integer_pow3A = arith.mulf %sub3A_25, %sub3A_25 : vector<10000x128xf32>
    %reduce_sum3A_26 = arith.constant dense<0.000000e+00> : vector<128xf32>
    %reduce_sum3A_27 = vector.multi_reduction <add>, %integer_pow3A, %reduce_sum3A_26 [0] : vector<10000x128xf32> to vector<128xf32>
    %broadcast_in_dim3A_28 = vector.shape_cast %reduce_sum3A_27 : vector<128xf32> to vector<1x128xf32>
    %div3A_29 = arith.constant 1.000000e+04 : f32
    %div3A_30 = vector.broadcast %div3A_29 : f32 to vector<1x128xf32>
    %div3A_31 = arith.divf %broadcast_in_dim3A_28, %div3A_30 : vector<1x128xf32>
    %sub3A_32 = vector.broadcast %div3A_24 : vector<1x128xf32> to vector<10000x128xf32>
    %sub3A_33 = arith.subf %add3A_21, %sub3A_32 : vector<10000x128xf32>
    %add3A_34 = arith.constant 9.99999974E-6 : f32
    %add3A_35 = vector.broadcast %add3A_34 : f32 to vector<1x128xf32>
    %add3A_36 = arith.addf %div3A_31, %add3A_35 : vector<1x128xf32>
    %rsqrt3A = math.rsqrt %add3A_36 : vector<1x128xf32>
    %mul3A_37 = vector.broadcast %rsqrt3A : vector<1x128xf32> to vector<10000x128xf32>
    %mul3A_38 = arith.mulf %sub3A_33, %mul3A_37 : vector<10000x128xf32>
    %get3A_39 = arith.constant 0 : index
    %get3A_40 = arith.constant 0 : index
    %get3A_41 = vector.load %arg4[%get3A_39, %get3A_40] : memref<1x128xf32, #tpu.memory_space<vmem>>, vector<1x128xf32>
    %mul3A_42 = vector.broadcast %get3A_41 : vector<1x128xf32> to vector<10000x128xf32>
    %mul3A_43 = arith.mulf %mul3A_38, %mul3A_42 : vector<10000x128xf32>
    %get3A_44 = arith.constant 0 : index
    %get3A_45 = arith.constant 0 : index
    %get3A_46 = vector.load %arg5[%get3A_44, %get3A_45] : memref<1x128xf32, #tpu.memory_space<vmem>>, vector<1x128xf32>
    %add3A_47 = vector.broadcast %get3A_46 : vector<1x128xf32> to vector<10000x128xf32>
    %add3A_48 = arith.addf %mul3A_43, %add3A_47 : vector<10000x128xf32>
    %max3A = arith.constant 0.000000e+00 : f32
    %max3A_49 = vector.broadcast %max3A : f32 to vector<10000x128xf32>
    %max3A_50 = arith.maximumf %add3A_48, %max3A_49 : vector<10000x128xf32>
    %get3A_51 = arith.constant 0 : index
    %get3A_52 = arith.constant 0 : index
    %get3A_53 = vector.load %arg6[%get3A_51, %get3A_52] : memref<128x128xf32, #tpu.memory_space<vmem>>, vector<128x128xf32>
    %dot_general3A = arith.constant dense<0.000000e+00> : vector<10000x128xf32>
    %dot_general3A_54 = tpu.matmul %max3A_50, %get3A_53, %dot_general3A {dimension_numbers = #tpu.dot_dimension_numbers<[1], [0], [0], [1], [0, 0, 1, 1], [], []>, transpose_lhs_hint = false} : vector<10000x128xf32>, vector<128x128xf32>, vector<10000x128xf32> -> vector<10000x128xf32>
    %get3A_55 = arith.constant 0 : index
    %get3A_56 = arith.constant 0 : index
    %get3A_57 = vector.load %arg7[%get3A_55, %get3A_56] : memref<10000x1xf32, #tpu.memory_space<vmem>>, vector<10000x1xf32>
    %mul3A_58 = vector.broadcast %get3A_57 : vector<10000x1xf32> to vector<10000x128xf32>
    %mul3A_59 = arith.mulf %dot_general3A_54, %mul3A_58 : vector<10000x128xf32>
    %swap3A = arith.constant 0 : index
    %swap3A_60 = arith.constant 0 : index
    %swap3A_61 = vector.load %arg8[%swap3A, %swap3A_60] : memref<10000x128xf32, #tpu.memory_space<vmem>>, vector<10000x128xf32>
    tpu.vector_store %arg8[%swap3A, %swap3A_60], %mul3A_59 {strides = array<i32>} : memref<10000x128xf32, #tpu.memory_space<vmem>>, vector<10000x128xf32>,
    return
  }
}

module attributes {stable_mosaic.version = 14 : i64} {
  func.func @_fin_body(%arg0: memref<10000x128xf32, #tpu.memory_space<vmem>>, %arg1: memref<2x10240x128xf32, #tpu.memory_space<vmem>>, %arg2: memref<10000x1xf32, #tpu.memory_space<vmem>>, %arg3: memref<1x128xf32, #tpu.memory_space<vmem>>, %arg4: memref<128x60xf32, #tpu.memory_space<vmem>>, %arg5: memref<1x60xf32, #tpu.memory_space<vmem>>, %arg6: memref<10000x128xf32, #tpu.memory_space<vmem>>, %arg7: memref<1x60xf32, #tpu.memory_space<vmem>>) attributes {dimension_semantics = [], scalar_prefetch = 0 : i64, scratch_operands = 0 : i64, tpu.core_type = #tpu.core_type<tc>} {
    %get3A = arith.constant 0 : index
    %get3A_0 = arith.constant 0 : index
    %get3A_1 = vector.load %arg0[%get3A, %get3A_0] : memref<10000x128xf32, #tpu.memory_space<vmem>>, vector<10000x128xf32>
    %get3A_2 = arith.constant 0 : index
    %get3A_3 = arith.constant 0 : index
    %get3A_4 = arith.constant 0 : index
    %get3A_5 = vector.load %arg1[%get3A_2, %get3A_3, %get3A_4] : memref<2x10240x128xf32, #tpu.memory_space<vmem>>, vector<1x10000x128xf32>
    %get3A_6 = vector.shape_cast %get3A_5 : vector<1x10000x128xf32> to vector<10000x128xf32>
    %get3A_7 = arith.constant 1 : index
    %get3A_8 = arith.constant 0 : index
    %get3A_9 = arith.constant 0 : index
    %get3A_10 = vector.load %arg1[%get3A_7, %get3A_8, %get3A_9] : memref<2x10240x128xf32, #tpu.memory_space<vmem>>, vector<1x10000x128xf32>
    %get3A_11 = vector.shape_cast %get3A_10 : vector<1x10000x128xf32> to vector<10000x128xf32>
    %add3A = arith.addf %get3A_6, %get3A_11 : vector<10000x128xf32>
    %get3A_12 = arith.constant 0 : index
    %get3A_13 = arith.constant 0 : index
    %get3A_14 = vector.load %arg2[%get3A_12, %get3A_13] : memref<10000x1xf32, #tpu.memory_space<vmem>>, vector<10000x1xf32>
    %mul3A = vector.broadcast %get3A_14 : vector<10000x1xf32> to vector<10000x128xf32>
    %mul3A_15 = arith.mulf %add3A, %mul3A : vector<10000x128xf32>
    %add3A_16 = arith.addf %get3A_1, %mul3A_15 : vector<10000x128xf32>
    %get3A_17 = arith.constant 0 : index
    %get3A_18 = arith.constant 0 : index
    %get3A_19 = vector.load %arg3[%get3A_17, %get3A_18] : memref<1x128xf32, #tpu.memory_space<vmem>>, vector<1x128xf32>
    %add3A_20 = vector.broadcast %get3A_19 : vector<1x128xf32> to vector<10000x128xf32>
    %add3A_21 = arith.addf %add3A_16, %add3A_20 : vector<10000x128xf32>
    %swap3A = arith.constant 0 : index
    %swap3A_22 = arith.constant 0 : index
    %swap3A_23 = vector.load %arg6[%swap3A, %swap3A_22] : memref<10000x128xf32, #tpu.memory_space<vmem>>, vector<10000x128xf32>
    tpu.vector_store %arg6[%swap3A, %swap3A_22], %add3A_21 {strides = array<i32>} : memref<10000x128xf32, #tpu.memory_space<vmem>>, vector<10000x128xf32>,
    %reduce_sum3A = arith.constant dense<0.000000e+00> : vector<128xf32>
    %reduce_sum3A_24 = vector.multi_reduction <add>, %add3A_21, %reduce_sum3A [0] : vector<10000x128xf32> to vector<128xf32>
    %broadcast_in_dim3A = vector.shape_cast %reduce_sum3A_24 : vector<128xf32> to vector<1x128xf32>
    %div3A = arith.constant 1.000000e+04 : f32
    %div3A_25 = vector.broadcast %div3A : f32 to vector<1x128xf32>
    %div3A_26 = arith.divf %broadcast_in_dim3A, %div3A_25 : vector<1x128xf32>
    %get3A_27 = arith.constant 0 : index
    %get3A_28 = arith.constant 0 : index
    %get3A_29 = vector.load %arg4[%get3A_27, %get3A_28] : memref<128x60xf32, #tpu.memory_space<vmem>>, vector<128x60xf32>
    %dot_general3A = arith.constant dense<0.000000e+00> : vector<1x60xf32>
    %dot_general3A_30 = tpu.matmul %div3A_26, %get3A_29, %dot_general3A {dimension_numbers = #tpu.dot_dimension_numbers<[1], [0], [0], [1], [0, 0, 1, 1], [], []>, transpose_lhs_hint = false} : vector<1x128xf32>, vector<128x60xf32>, vector<1x60xf32> -> vector<1x60xf32>
    %get3A_31 = arith.constant 0 : index
    %get3A_32 = arith.constant 0 : index
    %get3A_33 = vector.load %arg5[%get3A_31, %get3A_32] : memref<1x60xf32, #tpu.memory_space<vmem>>, vector<1x60xf32>
    %add3A_34 = arith.addf %dot_general3A_30, %get3A_33 : vector<1x60xf32>
    %swap3A_35 = arith.constant 0 : index
    %swap3A_36 = arith.constant 0 : index
    %swap3A_37 = vector.load %arg7[%swap3A_35, %swap3A_36] : memref<1x60xf32, #tpu.memory_space<vmem>>, vector<1x60xf32>
    tpu.vector_store %arg7[%swap3A_35, %swap3A_36], %add3A_34 {strides = array<i32>} : memref<1x60xf32, #tpu.memory_space<vmem>>, vector<1x60xf32>,
    return
  }
}

</mosaic_0001>

<sc_bundles>
// kernel: kernel.12.cloned.1.call-start
scs
__scs_entry_jumppad:
0x0: {  	(pc) =	sbr.rel $0x88, $3  }
0x1: {  	(tag) =	ssettag $0x0;
	lr =	simm.s32 $0x1  }
0x2: {  	[smem:$0x3F95] =	sst lr;
	_ =	strace $0xD0000000  }
0x3: {  	_ = 	snop  }
0x4: {  	_ = 	snop  }
0x5: {  	_ = 	snop  }
0x6: {  	_ = 	snop  }
0x7: {  	_ = 	snop  }
__scs_overlays_trampoline_lowered:
0x8: {  	[smem:$0x3FA4] =	sst s0  }
0x9: {  	[smem:$0x3FA5] =	sst s1  }
0xa: {  	[smem:$0x3FA6] =	sst s2  }
0xb: {  	[smem:$0x3FA7] =	sst s3  }
0xc: {  	[smem:$0x3FA8] =	sst s4  }
0xd: {  	[smem:$0x3FA9] =	sst s5  }
0xe: {  	[smem:$0x3FAA] =	sst s6  }
0xf: {  	[smem:$0x3FAB] =	sst s7  }
0x10: {  	[smem:$0x3FAC] =	sst s8  }
0x11: {  	[smem:$0x3FAD] =	sst s9;
	s0 =	simm.s32 @!p0 $0x0  }
0x12: {  	s1 =	sld [smem:$0x3F93];
	s0 =	simm.s32 @p0 $0x1  }
0x13: {  	[smem:$0x3FAE] =	sst s0;
	s0 =	simm.s32 @!p1 $0x0  }
0x14: {  	s2 =	sld [smem:$0x3F92];
	s0 =	simm.s32 @p1 $0x1  }
0x15: {  	[smem:$0x3FAF] =	sst s0;
	s0 =	simm.s32 @!p2 $0x0  }
0x16: {  	s3 =	sld [smem:$0x3FDB];
	s0 =	simm.s32 @p2 $0x1  }
0x17: {  	s4 =	simm.s32 $0x1BF5;
	[smem:$0x3FB1] =	sst s0  }
0x18: {  	s0 =	sld [smem:$0x3F94];
	_ =	swait.ge [sflag:s4], $0x0  }
0x19: {  	s7 =	sld [smem:$0x3F95]  }
0x1a: {  	s8 =	sadd.s32 $0xFFFFE003, lr  }
0x1b: {  	s9 =	sadd.s32 $0xFFFFFEF7, lr;
	s5 =	simm.s32 $0xFFFFFFFF;
	p2 =	slt.u32 s8, $0xFFFFF086  }
0x1c: {  	p1 =	slt.u32 s9, $0xF7A;
	s5 =	simm.s32 @!p2 $0x0  }
0x1d: {  	s5 =	simm.s32 @p1 $0x1;
	p0 =	seq.s32 s7, s2  }
0x1e: {  	s7 =	smul.u32 @!p0 $0xF7A, s2;
	p2 =	seq.s32 @!p0 s5, $0x0  }
0x1f: {  	s9 =	smul.u32 $0xF7A, s1;
	s8 =	simm.s32 @!p0 $0x1BF5;
	p2 =	por !p2, p0  }
0x20: {  	[sflag:s8] =	ssyncset.s32 @!p0 $0xFFFFF086;
	s6 =	sadd.s32 @!p0 s3, s7;
	s7 =	simm.s32 @!p0 $0x108  }
0x21: {  	s3 =	sadd.s32 s3, s9;
	s6 =	sadd.s32 @!p0 $0x88, s6;
	s7 =	simm.s32 @p2 $0x1082  }
0x22: {  	[simem:s7], [sflag:s8] =	dma.local @!p0 [hbm:s6], $0xF7A  }
0x23: {  	s9 =	sor.u32 $0xD0000000, s2;
	s6 =	simm.s32 $0x108;
	_ =	swait.ge @!p0 [sflag:s8], $0x0  }
0x24: {  	s3 =	sadd.s32 $0x88, s3;
	s6 =	simm.s32 @!p1 $0x1082;
	[sflag:s4] =	ssyncset.s32 $0xFFFFF086  }
0x25: {  	[simem:s6], [sflag:s4] =	dma.local [hbm:s3], $0xF7A  }
0x26: {  	[smem:$0x3F95] =	sst s1;
	(tag) =	ssettag s2;
	_ =	strace s9  }
0x27: {  	s1 =	sld [smem:$0x3FA5]  }
0x28: {  	s2 =	sld [smem:$0x3FA6]  }
0x29: {  	s4 =	sld [smem:$0x3FA8]  }
0x2a: {  	p0 =	seq.s32 s5, $0x0;
	s5 =	sld [smem:$0x3FA9]  }
0x2b: {  	s6 =	sld [smem:$0x3FAA]  }
0x2c: {  	s7 =	sld [smem:$0x3FAB]  }
0x2d: {  	s3 =	simm.s32 $0x108;
	s8 =	sld [smem:$0x3FAC]  }
0x2e: {  	s3 =	simm.s32 @!p0 $0x1082;
	s9 =	sld [smem:$0x3FAD]  }
0x2f: {  	lr =	sadd.s32 s0, s3;
	s0 =	sld [smem:$0x3FA4]  }
0x30: {  	s3 =	sld [smem:$0x3FA7]  }
0x31: {  	[smem:$0x3FB0] =	sst s10  }
0x32: {  	s10 =	sld [smem:$0x3FAE];
	_ =	sdelay $0x3  }
0x33: {  	p0 =	seq.s32 s10, $0x1;
	s10 =	sld [smem:$0x3FB0];
	_ =	sdelay $0x3  }
0x34: {  	[smem:$0x3FB0] =	sst s10  }
0x35: {  	s10 =	sld [smem:$0x3FAF];
	_ =	sdelay $0x3  }
0x36: {  	p1 =	seq.s32 s10, $0x1;
	s10 =	sld [smem:$0x3FB0];
	_ =	sdelay $0x3  }
0x37: {  	[smem:$0x3FB0] =	sst s10  }
0x38: {  	s10 =	sld [smem:$0x3FB1]  }
0x39: {  	_ = 	snop;
	(pc) =	sbr.ind lr, $3  }
0x3a: {  	_ = 	snop  }
0x3b: {  	_ = 	snop  }
0x3c: {  	p2 =	seq.s32 s10, $0x1;
	s10 =	sld [smem:$0x3FB0]  }
0x3d: {  	_ =	shalt  }
0x3e: {  	_ =	shalt  }
0x3f: {  	_ =	shalt  }
0x40: {  	_ =	shalt  }
0x41: {  	_ =	shalt  }
0x42: {  	_ =	shalt  }
0x43: {  	_ =	shalt  }
0x44: {  	_ =	shalt  }
0x45: {  	_ =	shalt  }
0x46: {  	_ =	shalt  }
0x47: {  	_ =	shalt  }
0x48: {  	_ =	shalt  }
0x49: {  	_ =	shalt  }
0x4a: {  	_ =	shalt  }
0x4b: {  	_ =	shalt  }
0x4c: {  	_ =	shalt  }
0x4d: {  	_ =	shalt  }
0x4e: {  	_ =	shalt  }
0x4f: {  	_ =	shalt  }
0x50: {  	_ =	shalt  }
0x51: {  	_ =	shalt  }
0x52: {  	_ =	shalt  }
0x53: {  	_ =	shalt  }
0x54: {  	_ =	shalt  }
0x55: {  	_ =	shalt  }
0x56: {  	_ =	shalt  }
0x57: {  	_ =	shalt  }
0x58: {  	_ =	shalt  }
0x59: {  	_ =	shalt  }
0x5a: {  	_ =	shalt  }
0x5b: {  	_ =	shalt  }
0x5c: {  	_ =	shalt  }
0x5d: {  	_ =	shalt  }
0x5e: {  	_ =	shalt  }
0x5f: {  	_ =	shalt  }
0x60: {  	_ =	shalt  }
0x61: {  	_ =	shalt  }
0x62: {  	_ =	shalt  }
0x63: {  	_ =	shalt  }
0x64: {  	_ =	shalt  }
0x65: {  	_ =	shalt  }
0x66: {  	_ =	shalt  }
0x67: {  	_ =	shalt  }
0x68: {  	_ =	shalt  }
0x69: {  	_ =	shalt  }
0x6a: {  	_ =	shalt  }
0x6b: {  	_ =	shalt  }
0x6c: {  	_ =	shalt  }
0x6d: {  	_ =	shalt  }
0x6e: {  	_ =	shalt  }
0x6f: {  	_ =	shalt  }
0x70: {  	_ =	shalt  }
0x71: {  	_ =	shalt  }
0x72: {  	_ =	shalt  }
0x73: {  	_ =	shalt  }
0x74: {  	_ =	shalt  }
0x75: {  	_ =	shalt  }
0x76: {  	_ =	shalt  }
0x77: {  	_ =	shalt  }
0x78: {  	_ =	shalt  }
0x79: {  	_ =	shalt  }
0x7a: {  	_ =	shalt  }
0x7b: {  	_ =	shalt  }
0x7c: {  	_ =	shalt  }
0x7d: {  	_ =	shalt  }
0x7e: {  	_ =	shalt  }
0x7f: {  	_ =	shalt  }
0x80: {  	_ =	shalt  }
0x81: {  	_ =	shalt  }
0x82: {  	_ =	shalt  }
0x83: {  	_ =	shalt  }
0x84: {  	_ =	shalt  }
0x85: {  	_ =	shalt  }
0x86: {  	_ =	shalt  }
0x87: {  	_ =	shalt  }
.Lfunc_end0:
.L_simem_size_0:
called_computation.1_lowered:
.L_overlay_start_0:
0x88: {  	s2 =	sld [smem:$0x3FD9]  }
0x89: {  	s3 =	sld [smem:$0x3FFE];
	_ =	sdelay $0x1  }
0x8a: {  	s1 =	srdreg.scid  }
0x8b: {  	s0 =	sand.u32 $0x1, s1  }
0x8c: {  	s14 =	sshll.u32 s0, $0xA;
	s2 =	sadd.s32 s3, s2  }
0x8d: {  	s2 =	sadd.s32 s2, s14  }
0x8e: {  	[smem:$0x3FBC] =	sst s2  }
0x8f: {  	_ = 	snop  }
0x90: {  	s2 =	sld [smem:$0x3FD0];
	_ =	sdelay $0x2  }
0x91: {  	s15 =	simm.s32 $0xA;
	s4 =	simm.s32 $0x10  }
0x92: {  	[smem:s4], [sflag:s15] =	dma.local [hbm:s2], $0x1  }
0x93: {  	_ =	swait.eq [sflag:s15], $0x1  }
0x94: {  	[sflag:s15] =	ssyncset.done $0x0  }
0x95: {  	[sflag:s15] =	ssyncadd.s32 $0xFFFFFFFF  }
0x96: {  	s16 =	sld [smem:$0x10];
	(tm) =	ssettm $0x1  }
0x97: {  	s17 =	sld [smem:$0x3FFB];
	_ =	sdelay $0x3  }
0x98: {  	_ =	strace s17  }
0x99: {  	s3 =	sld [smem:$0x3FFC];
	_ =	sdelay $0x3  }
0x9a: {  	_ =	strace s3  }
0x9b: {  	s3 =	sld [smem:$0x3FFD];
	_ =	sdelay $0x3  }
0x9c: {  	_ =	strace s3  }
0x9d: {  	_ =	strace $0x8FFFFFFF  }
0x9e: {  	s18 =	sld [smem:$0x3FDB];
	_ =	sdelay $0x1  }
0x9f: {  	s19 =	simm.s32 $_scs_section_size  }
0xa0: {  	s5 =	simm.s32 $_size__tile_overlayer_lowered;
	s6 =	simm.s32 $_tile_overlayer_lowered  }
0xa1: {  	s22 =	simm.s32 $0x1BFF;
	s21 =	sshll.u32 s6, $0x1;
	s3 =	sadd.s32 s19, s18  }
0xa2: {  	s7 =	simm.s32 $0x0;
	s20 =	sshll.u32 s5, $0x1;
	s5 =	sadd.s32 s21, s3  }
0xa3: {  	[timem:s7], [sflag:s22] =	dma.local [hbm:s5], s20  }
0xa4: {  	_ =	swait.ge [sflag:s22], s20  }
0xa5: {  	s4 =	ssub.s32 $0x0, s20;
	[sflag:s22] =	ssyncset.done $0x0  }
0xa6: {  	[sflag:s22] =	ssyncadd.s32 s4;
	_ =	sdelay $0x1  }
0xa7: {  	s23 =	simm.s32 $0x1B8B  }
0xa8: {  	_ =	swait.ge [sflag:s23], $0x1  }
0xa9: {  	[sflag:s23] =	ssyncset.done $0x0  }
0xaa: {  	s25 =	simm.s32 $0x1B8E;
	s24 =	sld [smem:$0x3FFE];
	[sflag:s23] =	ssyncadd.s32 $0xFFFFFFFF  }
0xab: {  	s26 =	simm.s32 $execute0_lowered;
	[smem:$0x3FD2] =	sst s25  }
0xac: {  	s5 =	sshll.u32 s26, $0x1;
	_ =	strace $0x80000049;
	[dreg:$0x1] =	wrdreg $0xFFFFFFFF  }
0xad: {  	s28 =	simm.s32 $_size_execute0_lowered;
	s3 =	sadd.s32 s3, s5;
	[dreg:$0x0] =	wrdreg $0x0  }
0xae: {  	s5 =	sshll.u32 s28, $0x1;
	[dreg:$0x2] =	wrdreg s3  }
0xaf: {  	[dreg:$0x3] =	wrdreg s5  }
0xb0: {  	[dreg:$0x4] =	wrdreg $0xC0  }
0xb1: {  	_ =	task [dreg:s7], $0x5FFFF  }
0xb2: {  	[dreg:$0x1] =	wrdreg $0xFFFFFFFF  }
0xb3: {  	[dreg:$0x0] =	wrdreg $0x60  }
0xb4: {  	[dreg:$0x2] =	wrdreg s16  }
0xb5: {  	[dreg:$0x3] =	wrdreg s24  }
0xb6: {  	[dreg:$0x4] =	wrdreg $0x90000  }
0xb7: {  	[dreg:$0x5] =	wrdreg $0x9  }
0xb8: {  	_ =	task.clear_ibuf [dreg:s7], $0x6FFFF;
	_ =	strace $0x90000049  }
0xb9: {  	s29 =	simm.s32 $0x9;
	_ =	strace $0x8000004B  }
0xba: {  	_ =	swait.ge [sflag:s29], $0x1  }
0xbb: {  	[sflag:s29] =	ssyncadd.s32 $0xFFFFFFFF  }
0xbc: {  	_ =	strace $0x9000004B  }
0xbd: {  	_ =	sfence  }
0xbe: {  	s30 =	sld [smem:$0x0];
	_ =	sdelay $0x2  }
0xbf: {  	s31 =	sshll.u32 s1, $0xD;
	s1 =	sshrl.u32 s1, $0x2  }
0xc0: {  	s3 =	sand.u32 $0x4000, s31;
	s1 =	sadd.s32 s1, s30  }
0xc1: {  	s0 =	sor.u32 s3, s0;
	s1 =	sshll.u32 s1, $0x11  }
0xc2: {  	s0 =	sor.u32 s1, s0  }
0xc3: {  	s0 =	sadd.s32 $0x8F2B, s0  }
0xc4: {  	[sflag:s0] =	ssyncadd.remote.s32 $0x1  }
0xc5: {  	_ =	sfence.sel $0xFFFF  }
0xc6: {  	[dreg:$0x0] =	wrdreg $0xFFFFFFFF;
	(pc) =	sbr.abs _section_cstart, $3  }
0xc7: {  	[dreg:$0x1] =	wrdreg $0xFFFFFFFF  }
0xc8: {  	_ =	task.clear_ibuf [dreg:s7], $0x2FFFF;
	_ =	strace $0x9FFFFFFF  }
0xc9: {  	(tm) =	ssettm $0x7FFFFFFF  }
tec
execute0_lowered:
.L_overlay_start_1:
0x0: {  	(tag) =	ssettag $0x1  }
0x1: {  	s1 =	rddreg [dreg:$0x0]  }
0x2: {  	s0 =	srdreg.scid;
	s7 =	rddreg [dreg:$0x1]  }
0x3: {  	s3 =	rddreg [dreg:$0x2];
	s4 =	simm.s32 $0x0;
	s14 =	simm.s32 $0x7D  }
0x4: {  	s15 =	simm.s32 $0x5000;
	s16 =	simm.s32 $0x1;
	s6 =	sand.u32 $0x1, s0  }
0x5: {  	s17 =	simm.s32 $0x0;
	s0 =	stileid.u32;
	s8 =	smul.u32 $0x140000, s6  }
0x6: {  	[smem:$0x7FF] =	sst s4;
	s2 =	sshll.u32 s6, $0x4;
	s9 =	smul.u32 $0x14000, s0  }
0x7: {  	s28 =	smul.u32 $0x50000, s0;
	s6 =	ssub.s32 $0x2, s6;
	s2 =	sor.u32 s0, s2  }
0x8: {  	s31 =	sshll.u32 s0, $0x6;
	s29 =	sshrl.u32 s6, $0x1;
	s5 =	smul.u32 $0x500, s2  }
0x9: {  	s2 =	rddreg [dreg:$0x3];
	_ =	strace $0x8000004A;
	s8 =	sadd.s32 s9, s8  }
0xa: {  	s30 =	sshrl.u32 s28, $0x2;
	s12 =	ssub.s32 s6, s29;
	s6 =	sor.u32 $0x1C02, s31  }
0xb: {  	s8 =	sshrl.u32 s8, $0x3;
	s13 =	sadd.s32 s30, s3;
	s10 =	sadd.s32 s5, s7  }
0xc: {  	s5 =	sadd.s32 $0x16E00, s7;
	s11 =	sadd.s32 s8, s7;
	s7 =	sadd.s32 $0x2E00, s10  }
0xd: {  	s8 =	sadd.s32 $0xCE00, s10;
	s9 =	sadd.s32 $0x19600, s11;
	s10 =	smax.u32 s12, $0x1  }
0xe: {  	s11 =	sshrl.u32 s13, $0x3;
	s12 =	simm.s32 $0x2;
	s13 =	simm.s32 $0x2800  }
.LBB2_1:
0xf: {  	[spmem:s11], [sflag:s6] =	dma.local [hbm:s5], $0x2800  }
0x10: {  	_ =	swait.ge [sflag:s12], $0x2800  }
0x11: {  	[sflag:s12] =	ssyncset.done $0x0  }
0x12: {  	[sflag:s12] =	ssyncadd.s32 $0xFFFFD800  }
0x13: {  	[bflag:$0x0] =	sbarrier.arrive $0xFFFF  }
0x14: {  	[tilespmem:s4], [sflag:$0x2] =	stream.linear.gather [hbm4b:s7+s4], $0x2800, $0x38;
	[tilespmem:$0x1D000] =	vst v63  }
0x15: {  	_ =	swait.ge [sflag:s12], $0x2800  }
0x16: {  	[sflag:s12] =	ssyncset.done $0x0  }
0x17: {  	[sflag:s12] =	ssyncadd.s32 $0xFFFFD800  }
0x18: {  	[tilespmem:s13], [sflag:$0x2] =	stream.linear.gather [hbm4b:s8+s4], $0x2800, $0x38;
	[tilespmem:$0x1D000] =	vst v63  }
0x19: {  	_ =	swait.ge [sflag:s12], $0x2800  }
0x1a: {  	[sflag:s12] =	ssyncset.done $0x0  }
0x1b: {  	s18 =	simm.s32 $0x0;
	[sflag:s12] =	ssyncadd.s32 $0xFFFFD800  }
0x1c: {  	[tilespmem:s15], [sflag:$0x1] =	stream.indirect.gather [hbm4b:s1+s14], $0x80, s18, s14, $0xb8;
	[tilespmem:$0x1D000] =	vst v63  }
0x1d: {  	_ =	swait.ge [sflag:s16], $0x3E80  }
0x1e: {  	[sflag:s16] =	ssyncset.done $0x0  }
0x1f: {  	s31 =	simm.s32 $0x2800;
	[sflag:s16] =	ssyncadd.s32 $0xFFFFC180  }
0x20: {  	[spmem:s3] =	stream.indirect.scatter.add.f32 [tilespmem:s15], [sflag:$0x2], $0x80, s31, s14, $0xb8;
	[tilespmem:$0x1D000] =	vst v63  }
0x21: {  	_ =	swait.ge [sflag:s12], $0x3E80  }
0x22: {  	s19 =	simm.s32 $0x400;
	s18 =	simm.s32 $0x200;
	[sflag:s12] =	ssyncset.done $0x0  }
.LBB2_2:
0x23: {  	s20 =	sshra.s32 s18, $0x2  }
0x24: {  	[sflag:s12] =	ssyncadd.s32 $0xFFFFC180;
	s18 =	smov.u32 s19;
	s21 =	sadd.s32 $0x200, s19  }
0x25: {  	[tilespmem:s15], [sflag:$0x1] =	stream.indirect.gather [hbm4b:s1+s14], $0x80, s20, s14, $0xb8;
	[tilespmem:$0x1D000] =	vst v63  }
0x26: {  	p0 =	sne.s32 s19, $0x9E00;
	_ =	swait.ge [sflag:s16], $0x3E80  }
.Ltmp0:
0x27: {  	[sflag:s16] =	ssyncset.done $0x0;
	(pc) =	sbr.rel @p0 .LBB2_2-.Ltmp0, $4  }
0x28: {  	s19 =	sadd.s32 $0x2800, s20;
	[sflag:s16] =	ssyncadd.s32 $0xFFFFC180  }
0x29: {  	[spmem:s3] =	stream.indirect.scatter.add.f32 [tilespmem:s15], [sflag:$0x2], $0x80, s19, s14, $0xb8;
	[tilespmem:$0x1D000] =	vst v63  }
0x2a: {  	_ =	swait.ge [sflag:s12], $0x3E80  }
0x2b: {  	s19 =	smov.u32 s21;
	[sflag:s12] =	ssyncset.done $0x0  }
0x2c: {  	s18 =	sshra.s32 s18, $0x2;
	[sflag:s12] =	ssyncadd.s32 $0xFFFFC180  }
0x2d: {  	[tilespmem:s15], [sflag:$0x1] =	stream.indirect.gather [hbm4b:s1+s14], $0x80, s18, s14, $0xb8;
	[tilespmem:$0x1D000] =	vst v63  }
0x2e: {  	_ =	swait.ge [sflag:s16], $0x3E80  }
0x2f: {  	[sflag:s16] =	ssyncset.done $0x0  }
0x30: {  	s18 =	sadd.s32 $0x2800, s18;
	[sflag:s16] =	ssyncadd.s32 $0xFFFFC180  }
0x31: {  	[spmem:s3] =	stream.indirect.scatter.add.f32 [tilespmem:s15], [sflag:$0x2], $0x80, s18, s14, $0xb8;
	[tilespmem:$0x1D000] =	vst v63  }
0x32: {  	_ =	swait.ge [sflag:s12], $0x3E80  }
0x33: {  	s17 =	sadd.s32 $0x1, s17;
	[sflag:s12] =	ssyncset.done $0x0  }
0x34: {  	p0 =	sne.s32 s17, s10;
	[sflag:s12] =	ssyncadd.s32 $0xFFFFC180  }
.Ltmp1:
0x35: {  	[bflag:$0x0] =	sbarrier.arrive $0xFFFF;
	(pc) =	sbr.rel @p0 .LBB2_1-.Ltmp1, $4  }
0x36: {  	[hbm:s9], [sflag:s6] =	dma.local [spmem:s11], $0x2800  }
0x37: {  	_ =	swait.ge [sflag:s12], $0x2800  }
0x38: {  	[sflag:s12] =	ssyncset.done $0x0  }
0x39: {  	[sflag:s12] =	ssyncadd.s32 $0xFFFFD800  }
0x3a: {  	_ =	sfence.sel $0x180000  }
0x3b: {  	[bflag:$0x0] =	sbarrier.arrive $0xFFFF  }
0x3c: {  	p0 =	sne.s32 s0, $0x0;
	_ =	strace $0x9000004A  }
0x3d: {  	s0 =	sadd.s32 @!p0 $0x100000, s2;
	[bflag:$0x2] =	sbarrier.arrive $0xFFFF  }
0x3e: {  	[sflag:s0] =	ssyncadd.tile.s32 @!p0 $0x1;
	_ =	shalt  }
.Lfunc_end2:
_tile_overlayer_lowered:
.L_overlay_start_2:
0x3f: {  	(tag) =	ssettag $0x2  }
0x40: {  	s0 =	rddreg [dreg:$0x0];
	s2 =	stileid.u32  }
0x41: {  	s1 =	rddreg [dreg:$0x1];
	p0 =	sne.s32 s2, $0x0  }
0x42: {  	s3 =	rddreg [dreg:$0x2];
	[bflag:$0x3] =	sbarrier.arrive $0xFFFF;
	s2 =	simm.s32 @!p0 $0x1C02  }
0x43: {  	[timem:s3], [sflag:s2] =	dma.local @!p0 [hbm:s0], s1  }
0x44: {  	s0 =	simm.s32 @!p0 $0x2  }
0x45: {  	_ =	swait.ge @!p0 [sflag:s0], s1  }
0x46: {  	s1 =	ssub.s32 @!p0 $0x0, s1;
	[sflag:s0] =	ssyncset.done @!p0 $0x0  }
0x47: {  	[sflag:s0] =	ssyncadd.s32 @!p0 s1  }
0x48: {  	[bflag:$0x3] =	sbarrier.arrive $0xFFFF  }
0x49: {  	_ =	shalt  }

// kernel: kernel.15.cloned.1.call-start
scs
__scs_entry_jumppad:
0x0: {  	(pc) =	sbr.rel $0x88, $3  }
0x1: {  	(tag) =	ssettag $0x0;
	lr =	simm.s32 $0x1  }
0x2: {  	[smem:$0x3F95] =	sst lr;
	_ =	strace $0xD0000000  }
0x3: {  	_ = 	snop  }
0x4: {  	_ = 	snop  }
0x5: {  	_ = 	snop  }
0x6: {  	_ = 	snop  }
0x7: {  	_ = 	snop  }
__scs_overlays_trampoline_lowered:
0x8: {  	[smem:$0x3FA4] =	sst s0  }
0x9: {  	[smem:$0x3FA5] =	sst s1  }
0xa: {  	[smem:$0x3FA6] =	sst s2  }
0xb: {  	[smem:$0x3FA7] =	sst s3  }
0xc: {  	[smem:$0x3FA8] =	sst s4  }
0xd: {  	[smem:$0x3FA9] =	sst s5  }
0xe: {  	[smem:$0x3FAA] =	sst s6  }
0xf: {  	[smem:$0x3FAB] =	sst s7  }
0x10: {  	[smem:$0x3FAC] =	sst s8  }
0x11: {  	[smem:$0x3FAD] =	sst s9;
	s0 =	simm.s32 @!p0 $0x0  }
0x12: {  	s1 =	sld [smem:$0x3F93];
	s0 =	simm.s32 @p0 $0x1  }
0x13: {  	[smem:$0x3FAE] =	sst s0;
	s0 =	simm.s32 @!p1 $0x0  }
0x14: {  	s2 =	sld [smem:$0x3F92];
	s0 =	simm.s32 @p1 $0x1  }
0x15: {  	[smem:$0x3FAF] =	sst s0;
	s0 =	simm.s32 @!p2 $0x0  }
0x16: {  	s3 =	sld [smem:$0x3FDB];
	s0 =	simm.s32 @p2 $0x1  }
0x17: {  	s4 =	simm.s32 $0x1BF5;
	[smem:$0x3FB1] =	sst s0  }
0x18: {  	s0 =	sld [smem:$0x3F94];
	_ =	swait.ge [sflag:s4], $0x0  }
0x19: {  	s7 =	sld [smem:$0x3F95]  }
0x1a: {  	s8 =	sadd.s32 $0xFFFFE003, lr  }
0x1b: {  	s9 =	sadd.s32 $0xFFFFFEF7, lr;
	s5 =	simm.s32 $0xFFFFFFFF;
	p2 =	slt.u32 s8, $0xFFFFF086  }
0x1c: {  	p1 =	slt.u32 s9, $0xF7A;
	s5 =	simm.s32 @!p2 $0x0  }
0x1d: {  	s5 =	simm.s32 @p1 $0x1;
	p0 =	seq.s32 s7, s2  }
0x1e: {  	s7 =	smul.u32 @!p0 $0xF7A, s2;
	p2 =	seq.s32 @!p0 s5, $0x0  }
0x1f: {  	s9 =	smul.u32 $0xF7A, s1;
	s8 =	simm.s32 @!p0 $0x1BF5;
	p2 =	por !p2, p0  }
0x20: {  	[sflag:s8] =	ssyncset.s32 @!p0 $0xFFFFF086;
	s6 =	sadd.s32 @!p0 s3, s7;
	s7 =	simm.s32 @!p0 $0x108  }
0x21: {  	s3 =	sadd.s32 s3, s9;
	s6 =	sadd.s32 @!p0 $0x88, s6;
	s7 =	simm.s32 @p2 $0x1082  }
0x22: {  	[simem:s7], [sflag:s8] =	dma.local @!p0 [hbm:s6], $0xF7A  }
0x23: {  	s9 =	sor.u32 $0xD0000000, s2;
	s6 =	simm.s32 $0x108;
	_ =	swait.ge @!p0 [sflag:s8], $0x0  }
0x24: {  	s3 =	sadd.s32 $0x88, s3;
	s6 =	simm.s32 @!p1 $0x1082;
	[sflag:s4] =	ssyncset.s32 $0xFFFFF086  }
0x25: {  	[simem:s6], [sflag:s4] =	dma.local [hbm:s3], $0xF7A  }
0x26: {  	[smem:$0x3F95] =	sst s1;
	(tag) =	ssettag s2;
	_ =	strace s9  }
0x27: {  	s1 =	sld [smem:$0x3FA5]  }
0x28: {  	s2 =	sld [smem:$0x3FA6]  }
0x29: {  	s4 =	sld [smem:$0x3FA8]  }
0x2a: {  	p0 =	seq.s32 s5, $0x0;
	s5 =	sld [smem:$0x3FA9]  }
0x2b: {  	s6 =	sld [smem:$0x3FAA]  }
0x2c: {  	s7 =	sld [smem:$0x3FAB]  }
0x2d: {  	s3 =	simm.s32 $0x108;
	s8 =	sld [smem:$0x3FAC]  }
0x2e: {  	s3 =	simm.s32 @!p0 $0x1082;
	s9 =	sld [smem:$0x3FAD]  }
0x2f: {  	lr =	sadd.s32 s0, s3;
	s0 =	sld [smem:$0x3FA4]  }
0x30: {  	s3 =	sld [smem:$0x3FA7]  }
0x31: {  	[smem:$0x3FB0] =	sst s10  }
0x32: {  	s10 =	sld [smem:$0x3FAE];
	_ =	sdelay $0x3  }
0x33: {  	p0 =	seq.s32 s10, $0x1;
	s10 =	sld [smem:$0x3FB0];
	_ =	sdelay $0x3  }
0x34: {  	[smem:$0x3FB0] =	sst s10  }
0x35: {  	s10 =	sld [smem:$0x3FAF];
	_ =	sdelay $0x3  }
0x36: {  	p1 =	seq.s32 s10, $0x1;
	s10 =	sld [smem:$0x3FB0];
	_ =	sdelay $0x3  }
0x37: {  	[smem:$0x3FB0] =	sst s10  }
0x38: {  	s10 =	sld [smem:$0x3FB1]  }
0x39: {  	_ = 	snop;
	(pc) =	sbr.ind lr, $3  }
0x3a: {  	_ = 	snop  }
0x3b: {  	_ = 	snop  }
0x3c: {  	p2 =	seq.s32 s10, $0x1;
	s10 =	sld [smem:$0x3FB0]  }
0x3d: {  	_ =	shalt  }
0x3e: {  	_ =	shalt  }
0x3f: {  	_ =	shalt  }
0x40: {  	_ =	shalt  }
0x41: {  	_ =	shalt  }
0x42: {  	_ =	shalt  }
0x43: {  	_ =	shalt  }
0x44: {  	_ =	shalt  }
0x45: {  	_ =	shalt  }
0x46: {  	_ =	shalt  }
0x47: {  	_ =	shalt  }
0x48: {  	_ =	shalt  }
0x49: {  	_ =	shalt  }
0x4a: {  	_ =	shalt  }
0x4b: {  	_ =	shalt  }
0x4c: {  	_ =	shalt  }
0x4d: {  	_ =	shalt  }
0x4e: {  	_ =	shalt  }
0x4f: {  	_ =	shalt  }
0x50: {  	_ =	shalt  }
0x51: {  	_ =	shalt  }
0x52: {  	_ =	shalt  }
0x53: {  	_ =	shalt  }
0x54: {  	_ =	shalt  }
0x55: {  	_ =	shalt  }
0x56: {  	_ =	shalt  }
0x57: {  	_ =	shalt  }
0x58: {  	_ =	shalt  }
0x59: {  	_ =	shalt  }
0x5a: {  	_ =	shalt  }
0x5b: {  	_ =	shalt  }
0x5c: {  	_ =	shalt  }
0x5d: {  	_ =	shalt  }
0x5e: {  	_ =	shalt  }
0x5f: {  	_ =	shalt  }
0x60: {  	_ =	shalt  }
0x61: {  	_ =	shalt  }
0x62: {  	_ =	shalt  }
0x63: {  	_ =	shalt  }
0x64: {  	_ =	shalt  }
0x65: {  	_ =	shalt  }
0x66: {  	_ =	shalt  }
0x67: {  	_ =	shalt  }
0x68: {  	_ =	shalt  }
0x69: {  	_ =	shalt  }
0x6a: {  	_ =	shalt  }
0x6b: {  	_ =	shalt  }
0x6c: {  	_ =	shalt  }
0x6d: {  	_ =	shalt  }
0x6e: {  	_ =	shalt  }
0x6f: {  	_ =	shalt  }
0x70: {  	_ =	shalt  }
0x71: {  	_ =	shalt  }
0x72: {  	_ =	shalt  }
0x73: {  	_ =	shalt  }
0x74: {  	_ =	shalt  }
0x75: {  	_ =	shalt  }
0x76: {  	_ =	shalt  }
0x77: {  	_ =	shalt  }
0x78: {  	_ =	shalt  }
0x79: {  	_ =	shalt  }
0x7a: {  	_ =	shalt  }
0x7b: {  	_ =	shalt  }
0x7c: {  	_ =	shalt  }
0x7d: {  	_ =	shalt  }
0x7e: {  	_ =	shalt  }
0x7f: {  	_ =	shalt  }
0x80: {  	_ =	shalt  }
0x81: {  	_ =	shalt  }
0x82: {  	_ =	shalt  }
0x83: {  	_ =	shalt  }
0x84: {  	_ =	shalt  }
0x85: {  	_ =	shalt  }
0x86: {  	_ =	shalt  }
0x87: {  	_ =	shalt  }
.Lfunc_end0:
.L_simem_size_0:
called_computation.2_lowered:
.L_overlay_start_0:
0x88: {  	s2 =	sld [smem:$0x3FD9]  }
0x89: {  	s3 =	sld [smem:$0x3FFE];
	_ =	sdelay $0x1  }
0x8a: {  	s1 =	srdreg.scid  }
0x8b: {  	s0 =	sand.u32 $0x1, s1  }
0x8c: {  	s14 =	sshll.u32 s0, $0xA;
	s2 =	sadd.s32 s3, s2  }
0x8d: {  	s2 =	sadd.s32 s2, s14  }
0x8e: {  	[smem:$0x3FBC] =	sst s2  }
0x8f: {  	_ = 	snop  }
0x90: {  	s2 =	sld [smem:$0x3FD0];
	_ =	sdelay $0x2  }
0x91: {  	s15 =	simm.s32 $0xA;
	s4 =	simm.s32 $0x10  }
0x92: {  	[smem:s4], [sflag:s15] =	dma.local [hbm:s2], $0x1  }
0x93: {  	_ =	swait.eq [sflag:s15], $0x1  }
0x94: {  	[sflag:s15] =	ssyncset.done $0x0  }
0x95: {  	[sflag:s15] =	ssyncadd.s32 $0xFFFFFFFF  }
0x96: {  	s16 =	sld [smem:$0x10];
	(tm) =	ssettm $0x1  }
0x97: {  	s17 =	sld [smem:$0x3FFB];
	_ =	sdelay $0x3  }
0x98: {  	_ =	strace s17  }
0x99: {  	s3 =	sld [smem:$0x3FFC];
	_ =	sdelay $0x3  }
0x9a: {  	_ =	strace s3  }
0x9b: {  	s3 =	sld [smem:$0x3FFD];
	_ =	sdelay $0x3  }
0x9c: {  	_ =	strace s3  }
0x9d: {  	_ =	strace $0x8FFFFFFF  }
0x9e: {  	s18 =	sld [smem:$0x3FDB];
	_ =	sdelay $0x1  }
0x9f: {  	s19 =	simm.s32 $_scs_section_size  }
0xa0: {  	s5 =	simm.s32 $_size__tile_overlayer_lowered;
	s6 =	simm.s32 $_tile_overlayer_lowered  }
0xa1: {  	s22 =	simm.s32 $0x1BFF;
	s21 =	sshll.u32 s6, $0x1;
	s3 =	sadd.s32 s19, s18  }
0xa2: {  	s7 =	simm.s32 $0x0;
	s20 =	sshll.u32 s5, $0x1;
	s5 =	sadd.s32 s21, s3  }
0xa3: {  	[timem:s7], [sflag:s22] =	dma.local [hbm:s5], s20  }
0xa4: {  	_ =	swait.ge [sflag:s22], s20  }
0xa5: {  	s4 =	ssub.s32 $0x0, s20;
	[sflag:s22] =	ssyncset.done $0x0  }
0xa6: {  	[sflag:s22] =	ssyncadd.s32 s4;
	_ =	sdelay $0x1  }
0xa7: {  	s23 =	simm.s32 $0x1B8B  }
0xa8: {  	_ =	swait.ge [sflag:s23], $0x1  }
0xa9: {  	[sflag:s23] =	ssyncset.done $0x0  }
0xaa: {  	s25 =	simm.s32 $0x1B8E;
	s24 =	sld [smem:$0x3FFE];
	[sflag:s23] =	ssyncadd.s32 $0xFFFFFFFF  }
0xab: {  	s26 =	simm.s32 $execute0_lowered;
	[smem:$0x3FD2] =	sst s25  }
0xac: {  	s5 =	sshll.u32 s26, $0x1;
	_ =	strace $0x8000004C;
	[dreg:$0x1] =	wrdreg $0xFFFFFFFF  }
0xad: {  	s28 =	simm.s32 $_size_execute0_lowered;
	s3 =	sadd.s32 s3, s5;
	[dreg:$0x0] =	wrdreg $0x0  }
0xae: {  	s5 =	sshll.u32 s28, $0x1;
	[dreg:$0x2] =	wrdreg s3  }
0xaf: {  	[dreg:$0x3] =	wrdreg s5  }
0xb0: {  	[dreg:$0x4] =	wrdreg $0xC0  }
0xb1: {  	_ =	task [dreg:s7], $0x5FFFF  }
0xb2: {  	[dreg:$0x1] =	wrdreg $0xFFFFFFFF  }
0xb3: {  	[dreg:$0x0] =	wrdreg $0x60  }
0xb4: {  	[dreg:$0x2] =	wrdreg s16  }
0xb5: {  	[dreg:$0x3] =	wrdreg s24  }
0xb6: {  	[dreg:$0x4] =	wrdreg $0x90000  }
0xb7: {  	[dreg:$0x5] =	wrdreg $0x9  }
0xb8: {  	_ =	task.clear_ibuf [dreg:s7], $0x6FFFF;
	_ =	strace $0x9000004C  }
0xb9: {  	s29 =	simm.s32 $0x9;
	_ =	strace $0x8000004E  }
0xba: {  	_ =	swait.ge [sflag:s29], $0x1  }
0xbb: {  	[sflag:s29] =	ssyncadd.s32 $0xFFFFFFFF  }
0xbc: {  	_ =	strace $0x9000004E  }
0xbd: {  	_ =	sfence  }
0xbe: {  	s30 =	sld [smem:$0x0];
	_ =	sdelay $0x2  }
0xbf: {  	s31 =	sshll.u32 s1, $0xD;
	s1 =	sshrl.u32 s1, $0x2  }
0xc0: {  	s3 =	sand.u32 $0x4000, s31;
	s1 =	sadd.s32 s1, s30  }
0xc1: {  	s0 =	sor.u32 s3, s0;
	s1 =	sshll.u32 s1, $0x11  }
0xc2: {  	s0 =	sor.u32 s1, s0  }
0xc3: {  	s0 =	sadd.s32 $0x8F2B, s0  }
0xc4: {  	[sflag:s0] =	ssyncadd.remote.s32 $0x1  }
0xc5: {  	_ =	sfence.sel $0xFFFF  }
0xc6: {  	[dreg:$0x0] =	wrdreg $0xFFFFFFFF;
	(pc) =	sbr.abs _section_cstart, $3  }
0xc7: {  	[dreg:$0x1] =	wrdreg $0xFFFFFFFF  }
0xc8: {  	_ =	task.clear_ibuf [dreg:s7], $0x2FFFF;
	_ =	strace $0x9FFFFFFF  }
0xc9: {  	(tm) =	ssettm $0x7FFFFFFF  }
tec
execute0_lowered:
.L_overlay_start_1:
0x0: {  	(tag) =	ssettag $0x1  }
0x1: {  	s1 =	rddreg [dreg:$0x0]  }
0x2: {  	s0 =	srdreg.scid;
	s7 =	rddreg [dreg:$0x1]  }
0x3: {  	s3 =	rddreg [dreg:$0x2];
	s4 =	simm.s32 $0x0;
	s14 =	simm.s32 $0x7D  }
0x4: {  	s15 =	simm.s32 $0x5000;
	s16 =	simm.s32 $0x1;
	s6 =	sand.u32 $0x1, s0  }
0x5: {  	s17 =	simm.s32 $0x0;
	s0 =	stileid.u32;
	s8 =	smul.u32 $0x140000, s6  }
0x6: {  	[smem:$0x7FF] =	sst s4;
	s2 =	sshll.u32 s6, $0x4;
	s9 =	smul.u32 $0x14000, s0  }
0x7: {  	s28 =	smul.u32 $0x50000, s0;
	s6 =	ssub.s32 $0x2, s6;
	s2 =	sor.u32 s0, s2  }
0x8: {  	s31 =	sshll.u32 s0, $0x6;
	s29 =	sshrl.u32 s6, $0x1;
	s5 =	smul.u32 $0x500, s2  }
0x9: {  	s2 =	rddreg [dreg:$0x3];
	_ =	strace $0x8000004D;
	s8 =	sadd.s32 s9, s8  }
0xa: {  	s30 =	sshrl.u32 s28, $0x2;
	s12 =	ssub.s32 s6, s29;
	s6 =	sor.u32 $0x1C02, s31  }
0xb: {  	s8 =	sshrl.u32 s8, $0x3;
	s13 =	sadd.s32 s30, s3;
	s10 =	sadd.s32 s5, s7  }
0xc: {  	s5 =	sadd.s32 $0x16E00, s7;
	s11 =	sadd.s32 s8, s7;
	s7 =	sadd.s32 $0x2E00, s10  }
0xd: {  	s8 =	sadd.s32 $0xCE00, s10;
	s9 =	sadd.s32 $0x19600, s11;
	s10 =	smax.u32 s12, $0x1  }
0xe: {  	s11 =	sshrl.u32 s13, $0x3;
	s12 =	simm.s32 $0x2;
	s13 =	simm.s32 $0x2800  }
.LBB2_1:
0xf: {  	[spmem:s11], [sflag:s6] =	dma.local [hbm:s5], $0x2800  }
0x10: {  	_ =	swait.ge [sflag:s12], $0x2800  }
0x11: {  	[sflag:s12] =	ssyncset.done $0x0  }
0x12: {  	[sflag:s12] =	ssyncadd.s32 $0xFFFFD800  }
0x13: {  	[bflag:$0x0] =	sbarrier.arrive $0xFFFF  }
0x14: {  	[tilespmem:s4], [sflag:$0x2] =	stream.linear.gather [hbm4b:s7+s4], $0x2800, $0x38;
	[tilespmem:$0x1D000] =	vst v63  }
0x15: {  	_ =	swait.ge [sflag:s12], $0x2800  }
0x16: {  	[sflag:s12] =	ssyncset.done $0x0  }
0x17: {  	[sflag:s12] =	ssyncadd.s32 $0xFFFFD800  }
0x18: {  	[tilespmem:s13], [sflag:$0x2] =	stream.linear.gather [hbm4b:s8+s4], $0x2800, $0x38;
	[tilespmem:$0x1D000] =	vst v63  }
0x19: {  	_ =	swait.ge [sflag:s12], $0x2800  }
0x1a: {  	[sflag:s12] =	ssyncset.done $0x0  }
0x1b: {  	s18 =	simm.s32 $0x0;
	[sflag:s12] =	ssyncadd.s32 $0xFFFFD800  }
0x1c: {  	[tilespmem:s15], [sflag:$0x1] =	stream.indirect.gather [hbm4b:s1+s14], $0x80, s18, s14, $0xb8;
	[tilespmem:$0x1D000] =	vst v63  }
0x1d: {  	_ =	swait.ge [sflag:s16], $0x3E80  }
0x1e: {  	[sflag:s16] =	ssyncset.done $0x0  }
0x1f: {  	s31 =	simm.s32 $0x2800;
	[sflag:s16] =	ssyncadd.s32 $0xFFFFC180  }
0x20: {  	[spmem:s3] =	stream.indirect.scatter.add.f32 [tilespmem:s15], [sflag:$0x2], $0x80, s31, s14, $0xb8;
	[tilespmem:$0x1D000] =	vst v63  }
0x21: {  	_ =	swait.ge [sflag:s12], $0x3E80  }
0x22: {  	s19 =	simm.s32 $0x400;
	s18 =	simm.s32 $0x200;
	[sflag:s12] =	ssyncset.done $0x0  }
.LBB2_2:
0x23: {  	s20 =	sshra.s32 s18, $0x2  }
0x24: {  	[sflag:s12] =	ssyncadd.s32 $0xFFFFC180;
	s18 =	smov.u32 s19;
	s21 =	sadd.s32 $0x200, s19  }
0x25: {  	[tilespmem:s15], [sflag:$0x1] =	stream.indirect.gather [hbm4b:s1+s14], $0x80, s20, s14, $0xb8;
	[tilespmem:$0x1D000] =	vst v63  }
0x26: {  	p0 =	sne.s32 s19, $0x9E00;
	_ =	swait.ge [sflag:s16], $0x3E80  }
.Ltmp0:
0x27: {  	[sflag:s16] =	ssyncset.done $0x0;
	(pc) =	sbr.rel @p0 .LBB2_2-.Ltmp0, $4  }
0x28: {  	s19 =	sadd.s32 $0x2800, s20;
	[sflag:s16] =	ssyncadd.s32 $0xFFFFC180  }
0x29: {  	[spmem:s3] =	stream.indirect.scatter.add.f32 [tilespmem:s15], [sflag:$0x2], $0x80, s19, s14, $0xb8;
	[tilespmem:$0x1D000] =	vst v63  }
0x2a: {  	_ =	swait.ge [sflag:s12], $0x3E80  }
0x2b: {  	s19 =	smov.u32 s21;
	[sflag:s12] =	ssyncset.done $0x0  }
0x2c: {  	s18 =	sshra.s32 s18, $0x2;
	[sflag:s12] =	ssyncadd.s32 $0xFFFFC180  }
0x2d: {  	[tilespmem:s15], [sflag:$0x1] =	stream.indirect.gather [hbm4b:s1+s14], $0x80, s18, s14, $0xb8;
	[tilespmem:$0x1D000] =	vst v63  }
0x2e: {  	_ =	swait.ge [sflag:s16], $0x3E80  }
0x2f: {  	[sflag:s16] =	ssyncset.done $0x0  }
0x30: {  	s18 =	sadd.s32 $0x2800, s18;
	[sflag:s16] =	ssyncadd.s32 $0xFFFFC180  }
0x31: {  	[spmem:s3] =	stream.indirect.scatter.add.f32 [tilespmem:s15], [sflag:$0x2], $0x80, s18, s14, $0xb8;
	[tilespmem:$0x1D000] =	vst v63  }
0x32: {  	_ =	swait.ge [sflag:s12], $0x3E80  }
0x33: {  	s17 =	sadd.s32 $0x1, s17;
	[sflag:s12] =	ssyncset.done $0x0  }
0x34: {  	p0 =	sne.s32 s17, s10;
	[sflag:s12] =	ssyncadd.s32 $0xFFFFC180  }
.Ltmp1:
0x35: {  	[bflag:$0x0] =	sbarrier.arrive $0xFFFF;
	(pc) =	sbr.rel @p0 .LBB2_1-.Ltmp1, $4  }
0x36: {  	[hbm:s9], [sflag:s6] =	dma.local [spmem:s11], $0x2800  }
0x37: {  	_ =	swait.ge [sflag:s12], $0x2800  }
0x38: {  	[sflag:s12] =	ssyncset.done $0x0  }
0x39: {  	[sflag:s12] =	ssyncadd.s32 $0xFFFFD800  }
0x3a: {  	_ =	sfence.sel $0x180000  }
0x3b: {  	[bflag:$0x0] =	sbarrier.arrive $0xFFFF  }
0x3c: {  	p0 =	sne.s32 s0, $0x0;
	_ =	strace $0x9000004D  }
0x3d: {  	s0 =	sadd.s32 @!p0 $0x100000, s2;
	[bflag:$0x2] =	sbarrier.arrive $0xFFFF  }
0x3e: {  	[sflag:s0] =	ssyncadd.tile.s32 @!p0 $0x1;
	_ =	shalt  }
.Lfunc_end2:
_tile_overlayer_lowered:
.L_overlay_start_2:
0x3f: {  	(tag) =	ssettag $0x2  }
0x40: {  	s0 =	rddreg [dreg:$0x0];
	s2 =	stileid.u32  }
0x41: {  	s1 =	rddreg [dreg:$0x1];
	p0 =	sne.s32 s2, $0x0  }
0x42: {  	s3 =	rddreg [dreg:$0x2];
	[bflag:$0x3] =	sbarrier.arrive $0xFFFF;
	s2 =	simm.s32 @!p0 $0x1C02  }
0x43: {  	[timem:s3], [sflag:s2] =	dma.local @!p0 [hbm:s0], s1  }
0x44: {  	s0 =	simm.s32 @!p0 $0x2  }
0x45: {  	_ =	swait.ge @!p0 [sflag:s0], s1  }
0x46: {  	s1 =	ssub.s32 @!p0 $0x0, s1;
	[sflag:s0] =	ssyncset.done @!p0 $0x0  }
0x47: {  	[sflag:s0] =	ssyncadd.s32 @!p0 s1  }
0x48: {  	[bflag:$0x3] =	sbarrier.arrive $0xFFFF  }
0x49: {  	_ =	shalt  }

// kernel: kernel.9.cloned.1.call-start
scs
__scs_entry_jumppad:
0x0: {  	(pc) =	sbr.rel $0x88, $3  }
0x1: {  	(tag) =	ssettag $0x0;
	lr =	simm.s32 $0x1  }
0x2: {  	[smem:$0x3F95] =	sst lr;
	_ =	strace $0xD0000000  }
0x3: {  	_ = 	snop  }
0x4: {  	_ = 	snop  }
0x5: {  	_ = 	snop  }
0x6: {  	_ = 	snop  }
0x7: {  	_ = 	snop  }
__scs_overlays_trampoline_lowered:
0x8: {  	[smem:$0x3FA4] =	sst s0  }
0x9: {  	[smem:$0x3FA5] =	sst s1  }
0xa: {  	[smem:$0x3FA6] =	sst s2  }
0xb: {  	[smem:$0x3FA7] =	sst s3  }
0xc: {  	[smem:$0x3FA8] =	sst s4  }
0xd: {  	[smem:$0x3FA9] =	sst s5  }
0xe: {  	[smem:$0x3FAA] =	sst s6  }
0xf: {  	[smem:$0x3FAB] =	sst s7  }
0x10: {  	[smem:$0x3FAC] =	sst s8  }
0x11: {  	[smem:$0x3FAD] =	sst s9;
	s0 =	simm.s32 @!p0 $0x0  }
0x12: {  	s1 =	sld [smem:$0x3F93];
	s0 =	simm.s32 @p0 $0x1  }
0x13: {  	[smem:$0x3FAE] =	sst s0;
	s0 =	simm.s32 @!p1 $0x0  }
0x14: {  	s2 =	sld [smem:$0x3F92];
	s0 =	simm.s32 @p1 $0x1  }
0x15: {  	[smem:$0x3FAF] =	sst s0;
	s0 =	simm.s32 @!p2 $0x0  }
0x16: {  	s3 =	sld [smem:$0x3FDB];
	s0 =	simm.s32 @p2 $0x1  }
0x17: {  	s4 =	simm.s32 $0x1BF5;
	[smem:$0x3FB1] =	sst s0  }
0x18: {  	s0 =	sld [smem:$0x3F94];
	_ =	swait.ge [sflag:s4], $0x0  }
0x19: {  	s7 =	sld [smem:$0x3F95]  }
0x1a: {  	s8 =	sadd.s32 $0xFFFFE003, lr  }
0x1b: {  	s9 =	sadd.s32 $0xFFFFFEF7, lr;
	s5 =	simm.s32 $0xFFFFFFFF;
	p2 =	slt.u32 s8, $0xFFFFF086  }
0x1c: {  	p1 =	slt.u32 s9, $0xF7A;
	s5 =	simm.s32 @!p2 $0x0  }
0x1d: {  	s5 =	simm.s32 @p1 $0x1;
	p0 =	seq.s32 s7, s2  }
0x1e: {  	s7 =	smul.u32 @!p0 $0xF7A, s2;
	p2 =	seq.s32 @!p0 s5, $0x0  }
0x1f: {  	s9 =	smul.u32 $0xF7A, s1;
	s8 =	simm.s32 @!p0 $0x1BF5;
	p2 =	por !p2, p0  }
0x20: {  	[sflag:s8] =	ssyncset.s32 @!p0 $0xFFFFF086;
	s6 =	sadd.s32 @!p0 s3, s7;
	s7 =	simm.s32 @!p0 $0x108  }
0x21: {  	s3 =	sadd.s32 s3, s9;
	s6 =	sadd.s32 @!p0 $0x88, s6;
	s7 =	simm.s32 @p2 $0x1082  }
0x22: {  	[simem:s7], [sflag:s8] =	dma.local @!p0 [hbm:s6], $0xF7A  }
0x23: {  	s9 =	sor.u32 $0xD0000000, s2;
	s6 =	simm.s32 $0x108;
	_ =	swait.ge @!p0 [sflag:s8], $0x0  }
0x24: {  	s3 =	sadd.s32 $0x88, s3;
	s6 =	simm.s32 @!p1 $0x1082;
	[sflag:s4] =	ssyncset.s32 $0xFFFFF086  }
0x25: {  	[simem:s6], [sflag:s4] =	dma.local [hbm:s3], $0xF7A  }
0x26: {  	[smem:$0x3F95] =	sst s1;
	(tag) =	ssettag s2;
	_ =	strace s9  }
0x27: {  	s1 =	sld [smem:$0x3FA5]  }
0x28: {  	s2 =	sld [smem:$0x3FA6]  }
0x29: {  	s4 =	sld [smem:$0x3FA8]  }
0x2a: {  	p0 =	seq.s32 s5, $0x0;
	s5 =	sld [smem:$0x3FA9]  }
0x2b: {  	s6 =	sld [smem:$0x3FAA]  }
0x2c: {  	s7 =	sld [smem:$0x3FAB]  }
0x2d: {  	s3 =	simm.s32 $0x108;
	s8 =	sld [smem:$0x3FAC]  }
0x2e: {  	s3 =	simm.s32 @!p0 $0x1082;
	s9 =	sld [smem:$0x3FAD]  }
0x2f: {  	lr =	sadd.s32 s0, s3;
	s0 =	sld [smem:$0x3FA4]  }
0x30: {  	s3 =	sld [smem:$0x3FA7]  }
0x31: {  	[smem:$0x3FB0] =	sst s10  }
0x32: {  	s10 =	sld [smem:$0x3FAE];
	_ =	sdelay $0x3  }
0x33: {  	p0 =	seq.s32 s10, $0x1;
	s10 =	sld [smem:$0x3FB0];
	_ =	sdelay $0x3  }
0x34: {  	[smem:$0x3FB0] =	sst s10  }
0x35: {  	s10 =	sld [smem:$0x3FAF];
	_ =	sdelay $0x3  }
0x36: {  	p1 =	seq.s32 s10, $0x1;
	s10 =	sld [smem:$0x3FB0];
	_ =	sdelay $0x3  }
0x37: {  	[smem:$0x3FB0] =	sst s10  }
0x38: {  	s10 =	sld [smem:$0x3FB1]  }
0x39: {  	_ = 	snop;
	(pc) =	sbr.ind lr, $3  }
0x3a: {  	_ = 	snop  }
0x3b: {  	_ = 	snop  }
0x3c: {  	p2 =	seq.s32 s10, $0x1;
	s10 =	sld [smem:$0x3FB0]  }
0x3d: {  	_ =	shalt  }
0x3e: {  	_ =	shalt  }
0x3f: {  	_ =	shalt  }
0x40: {  	_ =	shalt  }
0x41: {  	_ =	shalt  }
0x42: {  	_ =	shalt  }
0x43: {  	_ =	shalt  }
0x44: {  	_ =	shalt  }
0x45: {  	_ =	shalt  }
0x46: {  	_ =	shalt  }
0x47: {  	_ =	shalt  }
0x48: {  	_ =	shalt  }
0x49: {  	_ =	shalt  }
0x4a: {  	_ =	shalt  }
0x4b: {  	_ =	shalt  }
0x4c: {  	_ =	shalt  }
0x4d: {  	_ =	shalt  }
0x4e: {  	_ =	shalt  }
0x4f: {  	_ =	shalt  }
0x50: {  	_ =	shalt  }
0x51: {  	_ =	shalt  }
0x52: {  	_ =	shalt  }
0x53: {  	_ =	shalt  }
0x54: {  	_ =	shalt  }
0x55: {  	_ =	shalt  }
0x56: {  	_ =	shalt  }
0x57: {  	_ =	shalt  }
0x58: {  	_ =	shalt  }
0x59: {  	_ =	shalt  }
0x5a: {  	_ =	shalt  }
0x5b: {  	_ =	shalt  }
0x5c: {  	_ =	shalt  }
0x5d: {  	_ =	shalt  }
0x5e: {  	_ =	shalt  }
0x5f: {  	_ =	shalt  }
0x60: {  	_ =	shalt  }
0x61: {  	_ =	shalt  }
0x62: {  	_ =	shalt  }
0x63: {  	_ =	shalt  }
0x64: {  	_ =	shalt  }
0x65: {  	_ =	shalt  }
0x66: {  	_ =	shalt  }
0x67: {  	_ =	shalt  }
0x68: {  	_ =	shalt  }
0x69: {  	_ =	shalt  }
0x6a: {  	_ =	shalt  }
0x6b: {  	_ =	shalt  }
0x6c: {  	_ =	shalt  }
0x6d: {  	_ =	shalt  }
0x6e: {  	_ =	shalt  }
0x6f: {  	_ =	shalt  }
0x70: {  	_ =	shalt  }
0x71: {  	_ =	shalt  }
0x72: {  	_ =	shalt  }
0x73: {  	_ =	shalt  }
0x74: {  	_ =	shalt  }
0x75: {  	_ =	shalt  }
0x76: {  	_ =	shalt  }
0x77: {  	_ =	shalt  }
0x78: {  	_ =	shalt  }
0x79: {  	_ =	shalt  }
0x7a: {  	_ =	shalt  }
0x7b: {  	_ =	shalt  }
0x7c: {  	_ =	shalt  }
0x7d: {  	_ =	shalt  }
0x7e: {  	_ =	shalt  }
0x7f: {  	_ =	shalt  }
0x80: {  	_ =	shalt  }
0x81: {  	_ =	shalt  }
0x82: {  	_ =	shalt  }
0x83: {  	_ =	shalt  }
0x84: {  	_ =	shalt  }
0x85: {  	_ =	shalt  }
0x86: {  	_ =	shalt  }
0x87: {  	_ =	shalt  }
.Lfunc_end0:
.L_simem_size_0:
called_computation_lowered:
.L_overlay_start_0:
0x88: {  	s2 =	sld [smem:$0x3FD9]  }
0x89: {  	s3 =	sld [smem:$0x3FFE];
	_ =	sdelay $0x1  }
0x8a: {  	s1 =	srdreg.scid  }
0x8b: {  	s0 =	sand.u32 $0x1, s1  }
0x8c: {  	s14 =	sshll.u32 s0, $0xA;
	s2 =	sadd.s32 s3, s2  }
0x8d: {  	s2 =	sadd.s32 s2, s14  }
0x8e: {  	[smem:$0x3FBC] =	sst s2  }
0x8f: {  	_ = 	snop  }
0x90: {  	s2 =	sld [smem:$0x3FD0];
	_ =	sdelay $0x2  }
0x91: {  	s15 =	simm.s32 $0xA;
	s4 =	simm.s32 $0x10  }
0x92: {  	[smem:s4], [sflag:s15] =	dma.local [hbm:s2], $0x1  }
0x93: {  	_ =	swait.eq [sflag:s15], $0x1  }
0x94: {  	[sflag:s15] =	ssyncset.done $0x0  }
0x95: {  	s16 =	sld [smem:$0x10];
	[sflag:s15] =	ssyncadd.s32 $0xFFFFFFFF  }
0x96: {  	s17 =	sld [smem:$0x11];
	(tm) =	ssettm $0x1  }
0x97: {  	s18 =	sld [smem:$0x3FFB];
	_ =	sdelay $0x3  }
0x98: {  	_ =	strace s18  }
0x99: {  	s4 =	sld [smem:$0x3FFC];
	_ =	sdelay $0x3  }
0x9a: {  	_ =	strace s4  }
0x9b: {  	s4 =	sld [smem:$0x3FFD];
	_ =	sdelay $0x3  }
0x9c: {  	_ =	strace s4  }
0x9d: {  	_ =	strace $0x8FFFFFFF  }
0x9e: {  	s19 =	sld [smem:$0x3FDB];
	_ =	sdelay $0x1  }
0x9f: {  	s5 =	simm.s32 $_scs_section_size  }
0xa0: {  	s6 =	simm.s32 $_size__tile_overlayer_lowered;
	s7 =	simm.s32 $_tile_overlayer_lowered  }
0xa1: {  	s22 =	simm.s32 $0x1BFF;
	s21 =	sshll.u32 s7, $0x1;
	s4 =	sadd.s32 s5, s19  }
0xa2: {  	s8 =	simm.s32 $0x0;
	s20 =	sshll.u32 s6, $0x1;
	s6 =	sadd.s32 s21, s4  }
0xa3: {  	[timem:s8], [sflag:s22] =	dma.local [hbm:s6], s20  }
0xa4: {  	_ =	swait.ge [sflag:s22], s20  }
0xa5: {  	s5 =	ssub.s32 $0x0, s20;
	[sflag:s22] =	ssyncset.done $0x0  }
0xa6: {  	[sflag:s22] =	ssyncadd.s32 s5;
	_ =	sdelay $0x1  }
0xa7: {  	s23 =	simm.s32 $0x1B8B  }
0xa8: {  	_ =	swait.ge [sflag:s23], $0x1  }
0xa9: {  	[sflag:s23] =	ssyncset.done $0x0  }
0xaa: {  	s25 =	simm.s32 $0x1B8E;
	s24 =	sld [smem:$0x3FFE];
	[sflag:s23] =	ssyncadd.s32 $0xFFFFFFFF  }
0xab: {  	s26 =	simm.s32 $execute0_lowered;
	[smem:$0x3FD2] =	sst s25  }
0xac: {  	s6 =	sshll.u32 s26, $0x1;
	_ =	strace $0x80000046;
	[dreg:$0x1] =	wrdreg $0xFFFFFFFF  }
0xad: {  	s28 =	simm.s32 $_size_execute0_lowered;
	s4 =	sadd.s32 s4, s6;
	[dreg:$0x0] =	wrdreg $0x0  }
0xae: {  	s6 =	sshll.u32 s28, $0x1;
	[dreg:$0x2] =	wrdreg s4  }
0xaf: {  	[dreg:$0x3] =	wrdreg s6  }
0xb0: {  	[dreg:$0x4] =	wrdreg $0xC0  }
0xb1: {  	_ =	task [dreg:s8], $0x5FFFF  }
0xb2: {  	[dreg:$0x1] =	wrdreg $0xFFFFFFFF  }
0xb3: {  	[dreg:$0x0] =	wrdreg $0x60  }
0xb4: {  	[dreg:$0x2] =	wrdreg s24  }
0xb5: {  	[dreg:$0x3] =	wrdreg s17  }
0xb6: {  	[dreg:$0x4] =	wrdreg s16  }
0xb7: {  	[dreg:$0x5] =	wrdreg $0x50800  }
0xb8: {  	[dreg:$0x6] =	wrdreg $0x53000  }
0xb9: {  	[dreg:$0x7] =	wrdreg $0x9  }
0xba: {  	_ =	task.clear_ibuf [dreg:s8], $0x8FFFF;
	_ =	strace $0x90000046  }
0xbb: {  	s29 =	simm.s32 $0x9;
	_ =	strace $0x80000048  }
0xbc: {  	_ =	swait.ge [sflag:s29], $0x1  }
0xbd: {  	[sflag:s29] =	ssyncadd.s32 $0xFFFFFFFF  }
0xbe: {  	_ =	strace $0x90000048  }
0xbf: {  	_ =	sfence  }
0xc0: {  	s30 =	sld [smem:$0x0];
	_ =	sdelay $0x2  }
0xc1: {  	s31 =	sshll.u32 s1, $0xD;
	s1 =	sshrl.u32 s1, $0x2  }
0xc2: {  	s3 =	sand.u32 $0x4000, s31;
	s1 =	sadd.s32 s1, s30  }
0xc3: {  	s0 =	sor.u32 s3, s0;
	s1 =	sshll.u32 s1, $0x11  }
0xc4: {  	s0 =	sor.u32 s1, s0  }
0xc5: {  	s0 =	sadd.s32 $0x8F2B, s0  }
0xc6: {  	[sflag:s0] =	ssyncadd.remote.s32 $0x1  }
0xc7: {  	_ =	sfence.sel $0xFFFF  }
0xc8: {  	[dreg:$0x0] =	wrdreg $0xFFFFFFFF;
	(pc) =	sbr.abs _section_cstart, $3  }
0xc9: {  	[dreg:$0x1] =	wrdreg $0xFFFFFFFF  }
0xca: {  	_ =	task.clear_ibuf [dreg:s8], $0x2FFFF;
	_ =	strace $0x9FFFFFFF  }
0xcb: {  	(tm) =	ssettm $0x7FFFFFFF  }
tec
execute0_lowered:
.L_overlay_start_1:
0x0: {  	(tag) =	ssettag $0x1  }
0x1: {  	s6 =	rddreg [dreg:$0x0]  }
0x2: {  	s0 =	rddreg [dreg:$0x1]  }
0x3: {  	s10 =	rddreg [dreg:$0x2]  }
0x4: {  	s3 =	rddreg [dreg:$0x3]  }
0x5: {  	s1 =	srdreg.scid;
	s4 =	rddreg [dreg:$0x4];
	s5 =	simm.s32 $0x0  }
0x6: {  	s16 =	simm.s32 $0x5000;
	s17 =	simm.s32 $0x2800;
	s18 =	simm.s32 $0x7D  }
0x7: {  	s19 =	simm.s32 $0x0;
	s7 =	sand.u32 $0x1, s1;
	s1 =	stileid.u32  }
0x8: {  	[smem:$0x7FF] =	sst s5;
	s2 =	sshll.u32 s7, $0x4;
	s11 =	smul.u32 $0x280, s1  }
0x9: {  	s9 =	ssub.s32 $0x2, s7;
	s7 =	smul.u32 $0x2800, s7;
	s29 =	sshll.u32 s1, $0x6  }
0xa: {  	s8 =	sor.u32 s1, s2;
	s2 =	rddreg [dreg:$0x5];
	s12 =	sshrl.u32 s9, $0x1  }
0xb: {  	_ =	strace $0x80000047;
	s8 =	smul.u32 $0x500, s8;
	s12 =	ssub.s32 s9, s12  }
0xc: {  	s14 =	sadd.s32 s11, s3;
	s30 =	sadd.s32 s11, s7;
	s7 =	sor.u32 $0x1C01, s29  }
0xd: {  	s15 =	sadd.s32 s11, s4;
	s31 =	sshrl.u32 s30, $0x3;
	s12 =	smax.u32 s12, $0x1  }
0xe: {  	s15 =	sshrl.u32 s15, $0x3;
	s13 =	sadd.s32 s8, s6;
	s6 =	sadd.s32 $0x16E00, s6  }
0xf: {  	s10 =	sadd.s32 s10, s31;
	s8 =	sadd.s32 $0x2E00, s13;
	s9 =	sadd.s32 $0xCE00, s13  }
0x10: {  	s11 =	sadd.s32 $0xA00, s10;
	s13 =	sshrl.u32 s14, $0x3;
	s14 =	simm.s32 $0x1  }
.LBB2_1:
0x11: {  	[spmem:s13], [sflag:s7] =	dma.local [hbm:s6], $0x50  }
0x12: {  	_ =	swait.ge [sflag:s14], $0x50  }
0x13: {  	[sflag:s14] =	ssyncset.done $0x0  }
0x14: {  	[sflag:s14] =	ssyncadd.s32 $0xFFFFFFB0  }
0x15: {  	[spmem:s15], [sflag:s7] =	dma.local [hbm:s6], $0x50  }
0x16: {  	_ =	swait.ge [sflag:s14], $0x50  }
0x17: {  	[sflag:s14] =	ssyncset.done $0x0  }
0x18: {  	[sflag:s14] =	ssyncadd.s32 $0xFFFFFFB0  }
0x19: {  	[tilespmem:s16], [sflag:$0x1] =	stream.linear.gather [hbm4b:s0+s5], $0x80, $0x38;
	[tilespmem:$0x5580] =	vst v63  }
0x1a: {  	_ =	swait.ge [sflag:s14], $0x80  }
0x1b: {  	[sflag:s14] =	ssyncset.done $0x0  }
0x1c: {  	[sflag:s14] =	ssyncadd.s32 $0xFFFFFF80  }
0x1d: {  	[tilespmem:s5], [sflag:$0x1] =	stream.linear.gather [hbm4b:s8+s5], $0x2800, $0x38;
	[tilespmem:$0x5580] =	vst v63  }
0x1e: {  	_ =	swait.ge [sflag:s14], $0x2800  }
0x1f: {  	[sflag:s14] =	ssyncset.done $0x0  }
0x20: {  	[sflag:s14] =	ssyncadd.s32 $0xFFFFD800  }
0x21: {  	[tilespmem:s17], [sflag:$0x1] =	stream.linear.gather [hbm4b:s9+s5], $0x2800, $0x38;
	[tilespmem:$0x5580] =	vst v63  }
0x22: {  	_ =	swait.ge [sflag:s14], $0x2800  }
0x23: {  	[sflag:s14] =	ssyncset.done $0x0  }
0x24: {  	[sflag:s14] =	ssyncadd.s32 $0xFFFFD800  }
0x25: {  	s20 =	simm.s32 $0x0;
	[bflag:$0x0] =	sbarrier.arrive $0xFFFF  }
0x26: {  	[spmem:s3] =	stream.indirect.scatter.add.f32 [tilespmem:s16], [sflag:$0x1], $0x1, s20, s18, $0xb8;
	[tilespmem:$0x5580] =	vst v63  }
0x27: {  	_ =	swait.ge [sflag:s14], $0x7D  }
0x28: {  	[sflag:s14] =	ssyncset.done $0x0  }
0x29: {  	s31 =	simm.s32 $0x2800;
	[sflag:s14] =	ssyncadd.s32 $0xFFFFFF83  }
0x2a: {  	[spmem:s4] =	stream.indirect.scatter.add.f32 [tilespmem:s16], [sflag:$0x1], $0x1, s31, s18, $0xb8;
	[tilespmem:$0x5580] =	vst v63  }
0x2b: {  	_ =	swait.ge [sflag:s14], $0x7D  }
0x2c: {  	s21 =	simm.s32 $0x400;
	s20 =	simm.s32 $0x200;
	[sflag:s14] =	ssyncset.done $0x0  }
.LBB2_2:
0x2d: {  	s22 =	sshra.s32 s20, $0x2  }
0x2e: {  	[sflag:s14] =	ssyncadd.s32 $0xFFFFFF83;
	s20 =	smov.u32 s21;
	s23 =	sadd.s32 $0x200, s21  }
0x2f: {  	[spmem:s3] =	stream.indirect.scatter.add.f32 [tilespmem:s16], [sflag:$0x1], $0x1, s22, s18, $0xb8;
	[tilespmem:$0x5580] =	vst v63  }
0x30: {  	p0 =	sne.s32 s21, $0x9E00;
	_ =	swait.ge [sflag:s14], $0x7D  }
.Ltmp0:
0x31: {  	[sflag:s14] =	ssyncset.done $0x0;
	(pc) =	sbr.rel @p0 .LBB2_2-.Ltmp0, $4  }
0x32: {  	s21 =	sadd.s32 $0x2800, s22;
	[sflag:s14] =	ssyncadd.s32 $0xFFFFFF83  }
0x33: {  	[spmem:s4] =	stream.indirect.scatter.add.f32 [tilespmem:s16], [sflag:$0x1], $0x1, s21, s18, $0xb8;
	[tilespmem:$0x5580] =	vst v63  }
0x34: {  	_ =	swait.ge [sflag:s14], $0x7D  }
0x35: {  	s21 =	smov.u32 s23;
	[sflag:s14] =	ssyncset.done $0x0  }
0x36: {  	s20 =	sshra.s32 s20, $0x2;
	[sflag:s14] =	ssyncadd.s32 $0xFFFFFF83  }
0x37: {  	[spmem:s3] =	stream.indirect.scatter.add.f32 [tilespmem:s16], [sflag:$0x1], $0x1, s20, s18, $0xb8;
	[tilespmem:$0x5580] =	vst v63  }
0x38: {  	_ =	swait.ge [sflag:s14], $0x7D  }
0x39: {  	[sflag:s14] =	ssyncset.done $0x0  }
0x3a: {  	s20 =	sadd.s32 $0x2800, s20;
	[sflag:s14] =	ssyncadd.s32 $0xFFFFFF83  }
0x3b: {  	[spmem:s4] =	stream.indirect.scatter.add.f32 [tilespmem:s16], [sflag:$0x1], $0x1, s20, s18, $0xb8;
	[tilespmem:$0x5580] =	vst v63  }
0x3c: {  	_ =	swait.ge [sflag:s14], $0x7D  }
0x3d: {  	[sflag:s14] =	ssyncset.done $0x0  }
0x3e: {  	[sflag:s14] =	ssyncadd.s32 $0xFFFFFF83  }
0x3f: {  	[bflag:$0x0] =	sbarrier.arrive $0xFFFF  }
0x40: {  	[hbm:s10], [sflag:s7] =	dma.local [spmem:s13], $0x50  }
0x41: {  	s19 =	sadd.s32 $0x1, s19;
	_ =	swait.ge [sflag:s14], $0x50  }
0x42: {  	p0 =	sne.s32 s19, s12;
	[sflag:s14] =	ssyncset.done $0x0  }
.Ltmp1:
0x43: {  	[sflag:s14] =	ssyncadd.s32 $0xFFFFFFB0;
	(pc) =	sbr.rel @p0 .LBB2_1-.Ltmp1, $4  }
0x44: {  	[hbm:s11], [sflag:s7] =	dma.local [spmem:s15], $0x50  }
0x45: {  	_ =	swait.ge [sflag:s14], $0x50  }
0x46: {  	[sflag:s14] =	ssyncset.done $0x0  }
0x47: {  	[sflag:s14] =	ssyncadd.s32 $0xFFFFFFB0  }
0x48: {  	_ =	sfence.sel $0x180000  }
0x49: {  	[bflag:$0x0] =	sbarrier.arrive $0xFFFF  }
0x4a: {  	p0 =	sne.s32 s1, $0x0;
	_ =	strace $0x90000047  }
0x4b: {  	s0 =	sadd.s32 @!p0 $0x100000, s2;
	[bflag:$0x2] =	sbarrier.arrive $0xFFFF  }
0x4c: {  	[sflag:s0] =	ssyncadd.tile.s32 @!p0 $0x1;
	_ =	shalt  }
.Lfunc_end2:
_tile_overlayer_lowered:
.L_overlay_start_2:
0x4d: {  	(tag) =	ssettag $0x2  }
0x4e: {  	s0 =	rddreg [dreg:$0x0];
	s2 =	stileid.u32  }
0x4f: {  	s1 =	rddreg [dreg:$0x1];
	p0 =	sne.s32 s2, $0x0  }
0x50: {  	s3 =	rddreg [dreg:$0x2];
	[bflag:$0x3] =	sbarrier.arrive $0xFFFF;
	s2 =	simm.s32 @!p0 $0x1C01  }
0x51: {  	[timem:s3], [sflag:s2] =	dma.local @!p0 [hbm:s0], s1  }
0x52: {  	s0 =	simm.s32 @!p0 $0x1  }
0x53: {  	_ =	swait.ge @!p0 [sflag:s0], s1  }
0x54: {  	s1 =	ssub.s32 @!p0 $0x0, s1;
	[sflag:s0] =	ssyncset.done @!p0 $0x0  }
0x55: {  	[sflag:s0] =	ssyncadd.s32 @!p0 s1  }
0x56: {  	[bflag:$0x3] =	sbarrier.arrive $0xFFFF  }
0x57: {  	_ =	shalt  }

</sc_bundles>
